<compile_context>
chip_gen: v7x
topology: tpu7x:2x2x1
jax: 0.10.2.dev20260603
libtpu: 0.0.44.dev20260713+nightly
codegen_flags: <defaults>
</compile_context>

<pallas_src>
import functools

import jax
import jax.numpy as jnp
from jax import lax
from jax.experimental import pallas as pl
from jax.experimental.pallas import tpu as pltpu
from jax.experimental.pallas import tpu_sc as plsc

B = 16384
BB = 4096
NB = B // BB

NC, NS = 2, 16
NW = NC * NS
RPT = B // NW
CH = 128
NCH = RPT // CH

_EMB_SIZES = (20, 18, 16, 21)


def _sc_gather_body(c1_ref, c2_ref, c3_ref, c4_ref,
                    e1_ref, e2_ref, e3_ref, e4_ref,
                    o1_ref, o2_ref, o3_ref, o4_ref, idx_v, stage_v, sem):
    outs = (o1_ref, o2_ref, o3_ref, o4_ref)
    wid = lax.axis_index("s") * NC + lax.axis_index("c")
    row0 = wid * (RPT // CH)
    cats = (c1_ref, c2_ref, c3_ref, c4_ref)
    embs = (e1_ref, e2_ref, e3_ref, e4_ref)
    for s in range(4):
        pltpu.sync_copy(cats[s].at[pl.ds(row0, NCH)], idx_v)
        for c in range(NCH):
            pltpu.async_copy(
                embs[s].at[idx_v.at[c]],
                stage_v.at[pl.ds(c * CH, CH)],
                sem).wait()
        pltpu.sync_copy(stage_v, outs[s].at[pl.ds(wid * RPT, RPT)])


def _tc_mlp(x_ref, g1_ref, g2_ref, g3_ref, g4_ref,
            w1_ref, b1_ref, w2_ref, b2_ref, w3_ref, b3_ref, o_ref):
    f32 = jnp.float32
    acc = jnp.dot(x_ref[...], w1_ref[0:13, :], preferred_element_type=f32)
    zpad = jnp.zeros((96, 128), dtype=f32)
    for g_ref, w_lo in ((g1_ref, 13), (g2_ref, 45), (g3_ref, 77), (g4_ref, 109)):
        w_pad = jnp.concatenate([w1_ref[w_lo:w_lo + 32, :], zpad], axis=0)
        acc = acc + jnp.dot(g_ref[...], w_pad, preferred_element_type=f32)
    acc = acc + b1_ref[...]
    h1 = jnp.maximum(acc, 0.0)
    h2 = jnp.maximum(
        jnp.dot(h1, w2_ref[...], preferred_element_type=f32) + b2_ref[...], 0.0)
    o_ref[...] = jnp.dot(h2, w3_ref[...], preferred_element_type=f32) + b3_ref[...]


@functools.partial(jax.jit, static_argnums=())
def kernel(x, cat_1, cat_2, cat_3, occupation,
           emb1, emb2, emb3, emb_occ, W1, b1, W2, b2, W3, b3):
    mesh = plsc.VectorSubcoreMesh(core_axis_name="c", subcore_axis_name="s")
    sc_gather = functools.partial(
        pl.kernel, mesh=mesh,
        compiler_params=pltpu.CompilerParams(use_tc_tiling_on_sc=True),
        out_type=[jax.ShapeDtypeStruct((B, 128), jnp.float32)] * 4,
        scratch_types=[
            pltpu.VMEM((NCH, CH), jnp.int32),
            pltpu.VMEM((RPT, 128), jnp.float32),
            pltpu.SemaphoreType.DMA,
        ],
    )(_sc_gather_body)
    g1, g2, g3, g4 = sc_gather(
        cat_1.astype(jnp.int32).reshape(B // CH, CH),
        cat_2.astype(jnp.int32).reshape(B // CH, CH),
        cat_3.astype(jnp.int32).reshape(B // CH, CH),
        occupation.astype(jnp.int32).reshape(B // CH, CH),
        jnp.pad(emb1, ((0, 0), (0, 96))), jnp.pad(emb2, ((0, 0), (0, 96))),
        jnp.pad(emb3, ((0, 0), (0, 96))), jnp.pad(emb_occ, ((0, 0), (0, 96))))

    b1r = b1.reshape(1, 128)
    b2r = b2.reshape(1, 64)
    b3r = b3.reshape(1, 1)
    out = pl.pallas_call(
        _tc_mlp,
        grid=(NB,),
        in_specs=[
            pl.BlockSpec((BB, 13), lambda i: (i, 0)),
            pl.BlockSpec((BB, 128), lambda i: (i, 0)),
            pl.BlockSpec((BB, 128), lambda i: (i, 0)),
            pl.BlockSpec((BB, 128), lambda i: (i, 0)),
            pl.BlockSpec((BB, 128), lambda i: (i, 0)),
            pl.BlockSpec((141, 128), lambda i: (0, 0)),
            pl.BlockSpec((1, 128), lambda i: (0, 0)),
            pl.BlockSpec((128, 64), lambda i: (0, 0)),
            pl.BlockSpec((1, 64), lambda i: (0, 0)),
            pl.BlockSpec((64, 1), lambda i: (0, 0)),
            pl.BlockSpec((1, 1), lambda i: (0, 0)),
        ],
        out_specs=pl.BlockSpec((BB, 1), lambda i: (i, 0)),
        out_shape=jax.ShapeDtypeStruct((B, 1), jnp.float32),
        compiler_params=pltpu.CompilerParams(
            dimension_semantics=("arbitrary",)),
    )(x, g1, g2, g3, g4, W1, b1r, W2, b2r, W3, b3r)
    return out

# --- scband reference (transcript-rebuilt; emitter-appended) ---
"""Pipeline reference for scband-neural-network-72842645340309 (READ-ONLY COPY).

The authoritative reference and input builder live on the scoring server;
editing this copy changes nothing except your own understanding.
"""

import jax, jax.numpy as jnp
import numpy as np

B = 16384
INPUT_SIZE = 13
EMB = 32
P1, P2, P3, OCC = 20, 18, 16, 21


def setup_inputs(seed: int = 0) -> dict:
    key = jax.random.key(seed)
    ks = jax.random.split(key, 16)
    x = jax.random.normal(ks[0], (B, INPUT_SIZE), dtype=jnp.float32)
    cat_1 = jax.random.randint(ks[1], (B,), 0, P1)
    cat_2 = jax.random.randint(ks[2], (B,), 0, P2)
    cat_3 = jax.random.randint(ks[3], (B,), 0, P3)
    occupation = jax.random.randint(ks[4], (B,), 0, OCC)
    emb1 = jax.random.normal(ks[5], (P1, EMB), dtype=jnp.float32)
    emb2 = jax.random.normal(ks[6], (P2, EMB), dtype=jnp.float32)
    emb3 = jax.random.normal(ks[7], (P3, EMB), dtype=jnp.float32)
    emb_occ = jax.random.normal(ks[8], (OCC, EMB), dtype=jnp.float32)
    d_in = INPUT_SIZE + EMB * 4
    W1 = jax.random.normal(ks[9], (d_in, 128), dtype=jnp.float32) * (1.0 / np.sqrt(d_in))
    b1 = jnp.zeros((128,), dtype=jnp.float32)
    W2 = jax.random.normal(ks[10], (128, 64), dtype=jnp.float32) * (1.0 / np.sqrt(128))
    b2 = jnp.zeros((64,), dtype=jnp.float32)
    W3 = jax.random.normal(ks[11], (64, 1), dtype=jnp.float32) * (1.0 / np.sqrt(64))
    b3 = jnp.zeros((1,), dtype=jnp.float32)
    return {"x": x, "cat_1": cat_1, "cat_2": cat_2, "cat_3": cat_3,
            "occupation": occupation, "emb1": emb1, "emb2": emb2, "emb3": emb3,
            "emb_occ": emb_occ, "W1": W1, "b1": b1, "W2": W2, "b2": b2,
            "W3": W3, "b3": b3}


def reference(x, cat_1, cat_2, cat_3, occupation,
              emb1, emb2, emb3, emb_occ, W1, b1, W2, b2, W3, b3):
    cat_1_emb = jnp.take(emb1, cat_1, axis=0)
    cat_2_emb = jnp.take(emb2, cat_2, axis=0)
    cat_3_emb = jnp.take(emb3, cat_3, axis=0)
    occ_emb = jnp.take(emb_occ, occupation, axis=0)
    h = jnp.concatenate((x, cat_1_emb, cat_2_emb, cat_3_emb, occ_emb), axis=1)
    h = jax.nn.relu(h @ W1 + b1)
    # dropout p=0.01 is identity in eval mode
    h = jax.nn.relu(h @ W2 + b2)
    return h @ W3 + b3

if __name__ == "__main__":
    import jax
    _d = setup_inputs()
    print(jax.jit(kernel)(*tuple(_d.values())))

</pallas_src>

<mosaic_0001>
#map = affine_map<(d0, d1) -> (0, 0)>
module attributes {stable_mosaic.version = 14 : i64} {
  func.func @_sc_gather_body(%arg0: i32, %arg1: i32, %arg2: memref<128x128xi32, #tpu.memory_space<hbm>>, %arg3: memref<128x128xi32, #tpu.memory_space<hbm>>, %arg4: memref<128x128xi32, #tpu.memory_space<hbm>>, %arg5: memref<128x128xi32, #tpu.memory_space<hbm>>, %arg6: memref<20x128xf32, #tpu.memory_space<hbm>>, %arg7: memref<18x128xf32, #tpu.memory_space<hbm>>, %arg8: memref<16x128xf32, #tpu.memory_space<hbm>>, %arg9: memref<21x128xf32, #tpu.memory_space<hbm>>, %arg10: memref<16384x128xf32, #tpu.memory_space<hbm>>, %arg11: memref<16384x128xf32, #tpu.memory_space<hbm>>, %arg12: memref<16384x128xf32, #tpu.memory_space<hbm>>, %arg13: memref<16384x128xf32, #tpu.memory_space<hbm>>, %arg14: memref<4x128xi32, #tpu.memory_space<vmem>>, %arg15: memref<512x128xf32, #tpu.memory_space<vmem>>, %arg16: memref<!tpu.dma_semaphore, #tpu.memory_space<semaphore_mem>>) attributes {dimension_semantics = [#tpu.dimension_semantics<core_parallel>, #tpu.dimension_semantics<subcore_parallel>], iteration_bounds = array<i64: 2, 16>, scalar_prefetch = 0 : i64, scratch_operands = 3 : i64, tpu.core_type = #tpu.core_type<sc_vector_subcore>, window_params = [{transform_indices = #map}, {transform_indices = #map}, {transform_indices = #map}, {transform_indices = #map}, {transform_indices = #map}, {transform_indices = #map}, {transform_indices = #map}, {transform_indices = #map}, {transform_indices = #map}, {transform_indices = #map}, {transform_indices = #map}, {transform_indices = #map}]} {
    %mul3A = arith.constant 2 : i32
    %mul3A_0 = arith.muli %arg1, %mul3A : i32
    %add3A = arith.addi %mul3A_0, %arg0 : i32
    %mul3A_1 = arith.constant 4 : i32
    %mul3A_2 = arith.muli %add3A, %mul3A_1 : i32
    "tpu.region"() ({
      %run_scoped3A = tpu.sem_alloc : memref<!tpu.dma_semaphore, #tpu.memory_space<semaphore_mem>>
      %dma_start3A_329 = arith.constant 0 : i32
      %dma_start3A_330 = tpu.memref_slice %arg2[%mul3A_2, %dma_start3A_329] : memref<128x128xi32, #tpu.memory_space<hbm>> -> memref<4x128xi32, #tpu.memory_space<hbm>>
      %dma_start3A_331 = arith.constant 0 : i32
      %dma_start3A_332 = tpu.memref_slice %arg2[%mul3A_2, %dma_start3A_331] : memref<128x128xi32, #tpu.memory_space<hbm>> -> memref<4x128xi32, #tpu.memory_space<hbm>>
      tpu.enqueue_dma source(%dma_start3A_332 : memref<4x128xi32, #tpu.memory_space<hbm>>) target(%arg14 : memref<4x128xi32, #tpu.memory_space<vmem>>) target_semaphore(%run_scoped3A : memref<!tpu.dma_semaphore, #tpu.memory_space<semaphore_mem>>)
      %dma_wait3A_333 = arith.constant 0 : i32
      %dma_wait3A_334 = tpu.memref_slice %arg2[%mul3A_2, %dma_wait3A_333] : memref<128x128xi32, #tpu.memory_space<hbm>> -> memref<4x128xi32, #tpu.memory_space<hbm>>
      %dma_wait3A_335 = arith.constant 0 : i32
      %dma_wait3A_336 = tpu.memref_slice %arg2[%mul3A_2, %dma_wait3A_335] : memref<128x128xi32, #tpu.memory_space<hbm>> -> memref<4x128xi32, #tpu.memory_space<hbm>>
      tpu.wait_dma2 semaphore(%run_scoped3A : memref<!tpu.dma_semaphore, #tpu.memory_space<semaphore_mem>>) src(%dma_wait3A_336 : memref<4x128xi32, #tpu.memory_space<hbm>>) dst(%arg14 : memref<4x128xi32, #tpu.memory_space<vmem>>)
      tpu.yield
    }) : () -> ()
    %dma_start3A = arith.constant 0 : i32
    %dma_start3A_3 = arith.constant 0 : i32
    %dma_start3A_4 = arith.constant 0 : i32
    %dma_start3A_5 = tpu.memref_slice %arg15[%dma_start3A_3, %dma_start3A_4] : memref<512x128xf32, #tpu.memory_space<vmem>> -> memref<128x128xf32, #tpu.memory_space<vmem>>
    %dma_start3A_6 = arith.constant 0 : i32
    %dma_start3A_7 = tpu.memref_slice %arg14[%dma_start3A, %dma_start3A_6] : memref<4x128xi32, #tpu.memory_space<vmem>> -> memref<1x128xi32, #tpu.memory_space<vmem>>
    %dma_start3A_8 = tpu.memref_squeeze %dma_start3A_7 : memref<1x128xi32, #tpu.memory_space<vmem>> -> memref<128xi32, #tpu.memory_space<vmem>>
    %dma_start3A_9 = arith.constant 0 : i32
    %dma_start3A_10 = arith.constant 0 : i32
    %dma_start3A_11 = tpu.memref_slice %arg6[%dma_start3A_9, %dma_start3A_10] : memref<20x128xf32, #tpu.memory_space<hbm>> -> memref<20x128xf32, #tpu.memory_space<hbm>>
    tpu.enqueue_indirect_dma source(%dma_start3A_11 : memref<20x128xf32, #tpu.memory_space<hbm>>) target(%dma_start3A_5 : memref<128x128xf32, #tpu.memory_space<vmem>>) offsets(%dma_start3A_8 : memref<128xi32, #tpu.memory_space<vmem>>) semaphore(%arg16 : memref<!tpu.dma_semaphore, #tpu.memory_space<semaphore_mem>>)
    %dma_wait3A = arith.constant 0 : i32
    %dma_wait3A_12 = arith.constant 0 : i32
    %dma_wait3A_13 = arith.constant 0 : i32
    %dma_wait3A_14 = tpu.memref_slice %arg15[%dma_wait3A_12, %dma_wait3A_13] : memref<512x128xf32, #tpu.memory_space<vmem>> -> memref<128x128xf32, #tpu.memory_space<vmem>>
    %dma_wait3A_15 = arith.constant 0 : i32
    %dma_wait3A_16 = tpu.memref_slice %arg14[%dma_wait3A, %dma_wait3A_15] : memref<4x128xi32, #tpu.memory_space<vmem>> -> memref<1x128xi32, #tpu.memory_space<vmem>>
    %dma_wait3A_17 = tpu.memref_squeeze %dma_wait3A_16 : memref<1x128xi32, #tpu.memory_space<vmem>> -> memref<128xi32, #tpu.memory_space<vmem>>
    %dma_wait3A_18 = arith.constant 0 : i32
    %dma_wait3A_19 = arith.constant 0 : i32
    %dma_wait3A_20 = tpu.memref_slice %arg6[%dma_wait3A_18, %dma_wait3A_19] : memref<20x128xf32, #tpu.memory_space<hbm>> -> memref<20x128xf32, #tpu.memory_space<hbm>>
    tpu.wait_indirect_dma semaphore(%arg16 : memref<!tpu.dma_semaphore, #tpu.memory_space<semaphore_mem>>) src(%dma_wait3A_20 : memref<20x128xf32, #tpu.memory_space<hbm>>) dst(%dma_wait3A_14 : memref<128x128xf32, #tpu.memory_space<vmem>>)
    %dma_start3A_21 = arith.constant 1 : i32
    %dma_start3A_22 = arith.constant 128 : i32
    %dma_start3A_23 = arith.constant 0 : i32
    %dma_start3A_24 = tpu.memref_slice %arg15[%dma_start3A_22, %dma_start3A_23] : memref<512x128xf32, #tpu.memory_space<vmem>> -> memref<128x128xf32, #tpu.memory_space<vmem>>
    %dma_start3A_25 = arith.constant 0 : i32
    %dma_start3A_26 = tpu.memref_slice %arg14[%dma_start3A_21, %dma_start3A_25] : memref<4x128xi32, #tpu.memory_space<vmem>> -> memref<1x128xi32, #tpu.memory_space<vmem>>
    %dma_start3A_27 = tpu.memref_squeeze %dma_start3A_26 : memref<1x128xi32, #tpu.memory_space<vmem>> -> memref<128xi32, #tpu.memory_space<vmem>>
    %dma_start3A_28 = arith.constant 0 : i32
    %dma_start3A_29 = arith.constant 0 : i32
    %dma_start3A_30 = tpu.memref_slice %arg6[%dma_start3A_28, %dma_start3A_29] : memref<20x128xf32, #tpu.memory_space<hbm>> -> memref<20x128xf32, #tpu.memory_space<hbm>>
    tpu.enqueue_indirect_dma source(%dma_start3A_30 : memref<20x128xf32, #tpu.memory_space<hbm>>) target(%dma_start3A_24 : memref<128x128xf32, #tpu.memory_space<vmem>>) offsets(%dma_start3A_27 : memref<128xi32, #tpu.memory_space<vmem>>) semaphore(%arg16 : memref<!tpu.dma_semaphore, #tpu.memory_space<semaphore_mem>>)
    %dma_wait3A_31 = arith.constant 1 : i32
    %dma_wait3A_32 = arith.constant 128 : i32
    %dma_wait3A_33 = arith.constant 0 : i32
    %dma_wait3A_34 = tpu.memref_slice %arg15[%dma_wait3A_32, %dma_wait3A_33] : memref<512x128xf32, #tpu.memory_space<vmem>> -> memref<128x128xf32, #tpu.memory_space<vmem>>
    %dma_wait3A_35 = arith.constant 0 : i32
    %dma_wait3A_36 = tpu.memref_slice %arg14[%dma_wait3A_31, %dma_wait3A_35] : memref<4x128xi32, #tpu.memory_space<vmem>> -> memref<1x128xi32, #tpu.memory_space<vmem>>
    %dma_wait3A_37 = tpu.memref_squeeze %dma_wait3A_36 : memref<1x128xi32, #tpu.memory_space<vmem>> -> memref<128xi32, #tpu.memory_space<vmem>>
    %dma_wait3A_38 = arith.constant 0 : i32
    %dma_wait3A_39 = arith.constant 0 : i32
    %dma_wait3A_40 = tpu.memref_slice %arg6[%dma_wait3A_38, %dma_wait3A_39] : memref<20x128xf32, #tpu.memory_space<hbm>> -> memref<20x128xf32, #tpu.memory_space<hbm>>
    tpu.wait_indirect_dma semaphore(%arg16 : memref<!tpu.dma_semaphore, #tpu.memory_space<semaphore_mem>>) src(%dma_wait3A_40 : memref<20x128xf32, #tpu.memory_space<hbm>>) dst(%dma_wait3A_34 : memref<128x128xf32, #tpu.memory_space<vmem>>)
    %dma_start3A_41 = arith.constant 2 : i32
    %dma_start3A_42 = arith.constant 256 : i32
    %dma_start3A_43 = arith.constant 0 : i32
    %dma_start3A_44 = tpu.memref_slice %arg15[%dma_start3A_42, %dma_start3A_43] : memref<512x128xf32, #tpu.memory_space<vmem>> -> memref<128x128xf32, #tpu.memory_space<vmem>>
    %dma_start3A_45 = arith.constant 0 : i32
    %dma_start3A_46 = tpu.memref_slice %arg14[%dma_start3A_41, %dma_start3A_45] : memref<4x128xi32, #tpu.memory_space<vmem>> -> memref<1x128xi32, #tpu.memory_space<vmem>>
    %dma_start3A_47 = tpu.memref_squeeze %dma_start3A_46 : memref<1x128xi32, #tpu.memory_space<vmem>> -> memref<128xi32, #tpu.memory_space<vmem>>
    %dma_start3A_48 = arith.constant 0 : i32
    %dma_start3A_49 = arith.constant 0 : i32
    %dma_start3A_50 = tpu.memref_slice %arg6[%dma_start3A_48, %dma_start3A_49] : memref<20x128xf32, #tpu.memory_space<hbm>> -> memref<20x128xf32, #tpu.memory_space<hbm>>
    tpu.enqueue_indirect_dma source(%dma_start3A_50 : memref<20x128xf32, #tpu.memory_space<hbm>>) target(%dma_start3A_44 : memref<128x128xf32, #tpu.memory_space<vmem>>) offsets(%dma_start3A_47 : memref<128xi32, #tpu.memory_space<vmem>>) semaphore(%arg16 : memref<!tpu.dma_semaphore, #tpu.memory_space<semaphore_mem>>)
    %dma_wait3A_51 = arith.constant 2 : i32
    %dma_wait3A_52 = arith.constant 256 : i32
    %dma_wait3A_53 = arith.constant 0 : i32
    %dma_wait3A_54 = tpu.memref_slice %arg15[%dma_wait3A_52, %dma_wait3A_53] : memref<512x128xf32, #tpu.memory_space<vmem>> -> memref<128x128xf32, #tpu.memory_space<vmem>>
    %dma_wait3A_55 = arith.constant 0 : i32
    %dma_wait3A_56 = tpu.memref_slice %arg14[%dma_wait3A_51, %dma_wait3A_55] : memref<4x128xi32, #tpu.memory_space<vmem>> -> memref<1x128xi32, #tpu.memory_space<vmem>>
    %dma_wait3A_57 = tpu.memref_squeeze %dma_wait3A_56 : memref<1x128xi32, #tpu.memory_space<vmem>> -> memref<128xi32, #tpu.memory_space<vmem>>
    %dma_wait3A_58 = arith.constant 0 : i32
    %dma_wait3A_59 = arith.constant 0 : i32
    %dma_wait3A_60 = tpu.memref_slice %arg6[%dma_wait3A_58, %dma_wait3A_59] : memref<20x128xf32, #tpu.memory_space<hbm>> -> memref<20x128xf32, #tpu.memory_space<hbm>>
    tpu.wait_indirect_dma semaphore(%arg16 : memref<!tpu.dma_semaphore, #tpu.memory_space<semaphore_mem>>) src(%dma_wait3A_60 : memref<20x128xf32, #tpu.memory_space<hbm>>) dst(%dma_wait3A_54 : memref<128x128xf32, #tpu.memory_space<vmem>>)
    %dma_start3A_61 = arith.constant 3 : i32
    %dma_start3A_62 = arith.constant 384 : i32
    %dma_start3A_63 = arith.constant 0 : i32
    %dma_start3A_64 = tpu.memref_slice %arg15[%dma_start3A_62, %dma_start3A_63] : memref<512x128xf32, #tpu.memory_space<vmem>> -> memref<128x128xf32, #tpu.memory_space<vmem>>
    %dma_start3A_65 = arith.constant 0 : i32
    %dma_start3A_66 = tpu.memref_slice %arg14[%dma_start3A_61, %dma_start3A_65] : memref<4x128xi32, #tpu.memory_space<vmem>> -> memref<1x128xi32, #tpu.memory_space<vmem>>
    %dma_start3A_67 = tpu.memref_squeeze %dma_start3A_66 : memref<1x128xi32, #tpu.memory_space<vmem>> -> memref<128xi32, #tpu.memory_space<vmem>>
    %dma_start3A_68 = arith.constant 0 : i32
    %dma_start3A_69 = arith.constant 0 : i32
    %dma_start3A_70 = tpu.memref_slice %arg6[%dma_start3A_68, %dma_start3A_69] : memref<20x128xf32, #tpu.memory_space<hbm>> -> memref<20x128xf32, #tpu.memory_space<hbm>>
    tpu.enqueue_indirect_dma source(%dma_start3A_70 : memref<20x128xf32, #tpu.memory_space<hbm>>) target(%dma_start3A_64 : memref<128x128xf32, #tpu.memory_space<vmem>>) offsets(%dma_start3A_67 : memref<128xi32, #tpu.memory_space<vmem>>) semaphore(%arg16 : memref<!tpu.dma_semaphore, #tpu.memory_space<semaphore_mem>>)
    %dma_wait3A_71 = arith.constant 3 : i32
    %dma_wait3A_72 = arith.constant 384 : i32
    %dma_wait3A_73 = arith.constant 0 : i32
    %dma_wait3A_74 = tpu.memref_slice %arg15[%dma_wait3A_72, %dma_wait3A_73] : memref<512x128xf32, #tpu.memory_space<vmem>> -> memref<128x128xf32, #tpu.memory_space<vmem>>
    %dma_wait3A_75 = arith.constant 0 : i32
    %dma_wait3A_76 = tpu.memref_slice %arg14[%dma_wait3A_71, %dma_wait3A_75] : memref<4x128xi32, #tpu.memory_space<vmem>> -> memref<1x128xi32, #tpu.memory_space<vmem>>
    %dma_wait3A_77 = tpu.memref_squeeze %dma_wait3A_76 : memref<1x128xi32, #tpu.memory_space<vmem>> -> memref<128xi32, #tpu.memory_space<vmem>>
    %dma_wait3A_78 = arith.constant 0 : i32
    %dma_wait3A_79 = arith.constant 0 : i32
    %dma_wait3A_80 = tpu.memref_slice %arg6[%dma_wait3A_78, %dma_wait3A_79] : memref<20x128xf32, #tpu.memory_space<hbm>> -> memref<20x128xf32, #tpu.memory_space<hbm>>
    tpu.wait_indirect_dma semaphore(%arg16 : memref<!tpu.dma_semaphore, #tpu.memory_space<semaphore_mem>>) src(%dma_wait3A_80 : memref<20x128xf32, #tpu.memory_space<hbm>>) dst(%dma_wait3A_74 : memref<128x128xf32, #tpu.memory_space<vmem>>)
    %mul3A_81 = arith.constant 512 : i32
    %mul3A_82 = arith.muli %add3A, %mul3A_81 : i32
    "tpu.region"() ({
      %run_scoped3A = tpu.sem_alloc : memref<!tpu.dma_semaphore, #tpu.memory_space<semaphore_mem>>
      %dma_start3A_329 = arith.constant 0 : i32
      %dma_start3A_330 = tpu.memref_slice %arg10[%mul3A_82, %dma_start3A_329] : memref<16384x128xf32, #tpu.memory_space<hbm>> -> memref<512x128xf32, #tpu.memory_space<hbm>>
      %dma_start3A_331 = arith.constant 0 : i32
      %dma_start3A_332 = tpu.memref_slice %arg10[%mul3A_82, %dma_start3A_331] : memref<16384x128xf32, #tpu.memory_space<hbm>> -> memref<512x128xf32, #tpu.memory_space<hbm>>
      tpu.enqueue_dma source(%arg15 : memref<512x128xf32, #tpu.memory_space<vmem>>) target(%dma_start3A_332 : memref<512x128xf32, #tpu.memory_space<hbm>>) target_semaphore(%run_scoped3A : memref<!tpu.dma_semaphore, #tpu.memory_space<semaphore_mem>>)
      %dma_wait3A_333 = arith.constant 0 : i32
      %dma_wait3A_334 = tpu.memref_slice %arg10[%mul3A_82, %dma_wait3A_333] : memref<16384x128xf32, #tpu.memory_space<hbm>> -> memref<512x128xf32, #tpu.memory_space<hbm>>
      %dma_wait3A_335 = arith.constant 0 : i32
      %dma_wait3A_336 = tpu.memref_slice %arg10[%mul3A_82, %dma_wait3A_335] : memref<16384x128xf32, #tpu.memory_space<hbm>> -> memref<512x128xf32, #tpu.memory_space<hbm>>
      tpu.wait_dma2 semaphore(%run_scoped3A : memref<!tpu.dma_semaphore, #tpu.memory_space<semaphore_mem>>) src(%arg15 : memref<512x128xf32, #tpu.memory_space<vmem>>) dst(%dma_wait3A_336 : memref<512x128xf32, #tpu.memory_space<hbm>>)
      tpu.yield
    }) : () -> ()
    "tpu.region"() ({
      %run_scoped3A = tpu.sem_alloc : memref<!tpu.dma_semaphore, #tpu.memory_space<semaphore_mem>>
      %dma_start3A_329 = arith.constant 0 : i32
      %dma_start3A_330 = tpu.memref_slice %arg3[%mul3A_2, %dma_start3A_329] : memref<128x128xi32, #tpu.memory_space<hbm>> -> memref<4x128xi32, #tpu.memory_space<hbm>>
      %dma_start3A_331 = arith.constant 0 : i32
      %dma_start3A_332 = tpu.memref_slice %arg3[%mul3A_2, %dma_start3A_331] : memref<128x128xi32, #tpu.memory_space<hbm>> -> memref<4x128xi32, #tpu.memory_space<hbm>>
      tpu.enqueue_dma source(%dma_start3A_332 : memref<4x128xi32, #tpu.memory_space<hbm>>) target(%arg14 : memref<4x128xi32, #tpu.memory_space<vmem>>) target_semaphore(%run_scoped3A : memref<!tpu.dma_semaphore, #tpu.memory_space<semaphore_mem>>)
      %dma_wait3A_333 = arith.constant 0 : i32
      %dma_wait3A_334 = tpu.memref_slice %arg3[%mul3A_2, %dma_wait3A_333] : memref<128x128xi32, #tpu.memory_space<hbm>> -> memref<4x128xi32, #tpu.memory_space<hbm>>
      %dma_wait3A_335 = arith.constant 0 : i32
      %dma_wait3A_336 = tpu.memref_slice %arg3[%mul3A_2, %dma_wait3A_335] : memref<128x128xi32, #tpu.memory_space<hbm>> -> memref<4x128xi32, #tpu.memory_space<hbm>>
      tpu.wait_dma2 semaphore(%run_scoped3A : memref<!tpu.dma_semaphore, #tpu.memory_space<semaphore_mem>>) src(%dma_wait3A_336 : memref<4x128xi32, #tpu.memory_space<hbm>>) dst(%arg14 : memref<4x128xi32, #tpu.memory_space<vmem>>)
      tpu.yield
    }) : () -> ()
    %dma_start3A_83 = arith.constant 0 : i32
    %dma_start3A_84 = arith.constant 0 : i32
    %dma_start3A_85 = arith.constant 0 : i32
    %dma_start3A_86 = tpu.memref_slice %arg15[%dma_start3A_84, %dma_start3A_85] : memref<512x128xf32, #tpu.memory_space<vmem>> -> memref<128x128xf32, #tpu.memory_space<vmem>>
    %dma_start3A_87 = arith.constant 0 : i32
    %dma_start3A_88 = tpu.memref_slice %arg14[%dma_start3A_83, %dma_start3A_87] : memref<4x128xi32, #tpu.memory_space<vmem>> -> memref<1x128xi32, #tpu.memory_space<vmem>>
    %dma_start3A_89 = tpu.memref_squeeze %dma_start3A_88 : memref<1x128xi32, #tpu.memory_space<vmem>> -> memref<128xi32, #tpu.memory_space<vmem>>
    %dma_start3A_90 = arith.constant 0 : i32
    %dma_start3A_91 = arith.constant 0 : i32
    %dma_start3A_92 = tpu.memref_slice %arg7[%dma_start3A_90, %dma_start3A_91] : memref<18x128xf32, #tpu.memory_space<hbm>> -> memref<18x128xf32, #tpu.memory_space<hbm>>
    tpu.enqueue_indirect_dma source(%dma_start3A_92 : memref<18x128xf32, #tpu.memory_space<hbm>>) target(%dma_start3A_86 : memref<128x128xf32, #tpu.memory_space<vmem>>) offsets(%dma_start3A_89 : memref<128xi32, #tpu.memory_space<vmem>>) semaphore(%arg16 : memref<!tpu.dma_semaphore, #tpu.memory_space<semaphore_mem>>)
    %dma_wait3A_93 = arith.constant 0 : i32
    %dma_wait3A_94 = arith.constant 0 : i32
    %dma_wait3A_95 = arith.constant 0 : i32
    %dma_wait3A_96 = tpu.memref_slice %arg15[%dma_wait3A_94, %dma_wait3A_95] : memref<512x128xf32, #tpu.memory_space<vmem>> -> memref<128x128xf32, #tpu.memory_space<vmem>>
    %dma_wait3A_97 = arith.constant 0 : i32
    %dma_wait3A_98 = tpu.memref_slice %arg14[%dma_wait3A_93, %dma_wait3A_97] : memref<4x128xi32, #tpu.memory_space<vmem>> -> memref<1x128xi32, #tpu.memory_space<vmem>>
    %dma_wait3A_99 = tpu.memref_squeeze %dma_wait3A_98 : memref<1x128xi32, #tpu.memory_space<vmem>> -> memref<128xi32, #tpu.memory_space<vmem>>
    %dma_wait3A_100 = arith.constant 0 : i32
    %dma_wait3A_101 = arith.constant 0 : i32
    %dma_wait3A_102 = tpu.memref_slice %arg7[%dma_wait3A_100, %dma_wait3A_101] : memref<18x128xf32, #tpu.memory_space<hbm>> -> memref<18x128xf32, #tpu.memory_space<hbm>>
    tpu.wait_indirect_dma semaphore(%arg16 : memref<!tpu.dma_semaphore, #tpu.memory_space<semaphore_mem>>) src(%dma_wait3A_102 : memref<18x128xf32, #tpu.memory_space<hbm>>) dst(%dma_wait3A_96 : memref<128x128xf32, #tpu.memory_space<vmem>>)
    %dma_start3A_103 = arith.constant 1 : i32
    %dma_start3A_104 = arith.constant 128 : i32
    %dma_start3A_105 = arith.constant 0 : i32
    %dma_start3A_106 = tpu.memref_slice %arg15[%dma_start3A_104, %dma_start3A_105] : memref<512x128xf32, #tpu.memory_space<vmem>> -> memref<128x128xf32, #tpu.memory_space<vmem>>
    %dma_start3A_107 = arith.constant 0 : i32
    %dma_start3A_108 = tpu.memref_slice %arg14[%dma_start3A_103, %dma_start3A_107] : memref<4x128xi32, #tpu.memory_space<vmem>> -> memref<1x128xi32, #tpu.memory_space<vmem>>
    %dma_start3A_109 = tpu.memref_squeeze %dma_start3A_108 : memref<1x128xi32, #tpu.memory_space<vmem>> -> memref<128xi32, #tpu.memory_space<vmem>>
    %dma_start3A_110 = arith.constant 0 : i32
    %dma_start3A_111 = arith.constant 0 : i32
    %dma_start3A_112 = tpu.memref_slice %arg7[%dma_start3A_110, %dma_start3A_111] : memref<18x128xf32, #tpu.memory_space<hbm>> -> memref<18x128xf32, #tpu.memory_space<hbm>>
    tpu.enqueue_indirect_dma source(%dma_start3A_112 : memref<18x128xf32, #tpu.memory_space<hbm>>) target(%dma_start3A_106 : memref<128x128xf32, #tpu.memory_space<vmem>>) offsets(%dma_start3A_109 : memref<128xi32, #tpu.memory_space<vmem>>) semaphore(%arg16 : memref<!tpu.dma_semaphore, #tpu.memory_space<semaphore_mem>>)
    %dma_wait3A_113 = arith.constant 1 : i32
    %dma_wait3A_114 = arith.constant 128 : i32
    %dma_wait3A_115 = arith.constant 0 : i32
    %dma_wait3A_116 = tpu.memref_slice %arg15[%dma_wait3A_114, %dma_wait3A_115] : memref<512x128xf32, #tpu.memory_space<vmem>> -> memref<128x128xf32, #tpu.memory_space<vmem>>
    %dma_wait3A_117 = arith.constant 0 : i32
    %dma_wait3A_118 = tpu.memref_slice %arg14[%dma_wait3A_113, %dma_wait3A_117] : memref<4x128xi32, #tpu.memory_space<vmem>> -> memref<1x128xi32, #tpu.memory_space<vmem>>
    %dma_wait3A_119 = tpu.memref_squeeze %dma_wait3A_118 : memref<1x128xi32, #tpu.memory_space<vmem>> -> memref<128xi32, #tpu.memory_space<vmem>>
    %dma_wait3A_120 = arith.constant 0 : i32
    %dma_wait3A_121 = arith.constant 0 : i32
    %dma_wait3A_122 = tpu.memref_slice %arg7[%dma_wait3A_120, %dma_wait3A_121] : memref<18x128xf32, #tpu.memory_space<hbm>> -> memref<18x128xf32, #tpu.memory_space<hbm>>
    tpu.wait_indirect_dma semaphore(%arg16 : memref<!tpu.dma_semaphore, #tpu.memory_space<semaphore_mem>>) src(%dma_wait3A_122 : memref<18x128xf32, #tpu.memory_space<hbm>>) dst(%dma_wait3A_116 : memref<128x128xf32, #tpu.memory_space<vmem>>)
    %dma_start3A_123 = arith.constant 2 : i32
    %dma_start3A_124 = arith.constant 256 : i32
    %dma_start3A_125 = arith.constant 0 : i32
    %dma_start3A_126 = tpu.memref_slice %arg15[%dma_start3A_124, %dma_start3A_125] : memref<512x128xf32, #tpu.memory_space<vmem>> -> memref<128x128xf32, #tpu.memory_space<vmem>>
    %dma_start3A_127 = arith.constant 0 : i32
    %dma_start3A_128 = tpu.memref_slice %arg14[%dma_start3A_123, %dma_start3A_127] : memref<4x128xi32, #tpu.memory_space<vmem>> -> memref<1x128xi32, #tpu.memory_space<vmem>>
    %dma_start3A_129 = tpu.memref_squeeze %dma_start3A_128 : memref<1x128xi32, #tpu.memory_space<vmem>> -> memref<128xi32, #tpu.memory_space<vmem>>
    %dma_start3A_130 = arith.constant 0 : i32
    %dma_start3A_131 = arith.constant 0 : i32
    %dma_start3A_132 = tpu.memref_slice %arg7[%dma_start3A_130, %dma_start3A_131] : memref<18x128xf32, #tpu.memory_space<hbm>> -> memref<18x128xf32, #tpu.memory_space<hbm>>
    tpu.enqueue_indirect_dma source(%dma_start3A_132 : memref<18x128xf32, #tpu.memory_space<hbm>>) target(%dma_start3A_126 : memref<128x128xf32, #tpu.memory_space<vmem>>) offsets(%dma_start3A_129 : memref<128xi32, #tpu.memory_space<vmem>>) semaphore(%arg16 : memref<!tpu.dma_semaphore, #tpu.memory_space<semaphore_mem>>)
    %dma_wait3A_133 = arith.constant 2 : i32
    %dma_wait3A_134 = arith.constant 256 : i32
    %dma_wait3A_135 = arith.constant 0 : i32
    %dma_wait3A_136 = tpu.memref_slice %arg15[%dma_wait3A_134, %dma_wait3A_135] : memref<512x128xf32, #tpu.memory_space<vmem>> -> memref<128x128xf32, #tpu.memory_space<vmem>>
    %dma_wait3A_137 = arith.constant 0 : i32
    %dma_wait3A_138 = tpu.memref_slice %arg14[%dma_wait3A_133, %dma_wait3A_137] : memref<4x128xi32, #tpu.memory_space<vmem>> -> memref<1x128xi32, #tpu.memory_space<vmem>>
    %dma_wait3A_139 = tpu.memref_squeeze %dma_wait3A_138 : memref<1x128xi32, #tpu.memory_space<vmem>> -> memref<128xi32, #tpu.memory_space<vmem>>
    %dma_wait3A_140 = arith.constant 0 : i32
    %dma_wait3A_141 = arith.constant 0 : i32
    %dma_wait3A_142 = tpu.memref_slice %arg7[%dma_wait3A_140, %dma_wait3A_141] : memref<18x128xf32, #tpu.memory_space<hbm>> -> memref<18x128xf32, #tpu.memory_space<hbm>>
    tpu.wait_indirect_dma semaphore(%arg16 : memref<!tpu.dma_semaphore, #tpu.memory_space<semaphore_mem>>) src(%dma_wait3A_142 : memref<18x128xf32, #tpu.memory_space<hbm>>) dst(%dma_wait3A_136 : memref<128x128xf32, #tpu.memory_space<vmem>>)
    %dma_start3A_143 = arith.constant 3 : i32
    %dma_start3A_144 = arith.constant 384 : i32
    %dma_start3A_145 = arith.constant 0 : i32
    %dma_start3A_146 = tpu.memref_slice %arg15[%dma_start3A_144, %dma_start3A_145] : memref<512x128xf32, #tpu.memory_space<vmem>> -> memref<128x128xf32, #tpu.memory_space<vmem>>
    %dma_start3A_147 = arith.constant 0 : i32
    %dma_start3A_148 = tpu.memref_slice %arg14[%dma_start3A_143, %dma_start3A_147] : memref<4x128xi32, #tpu.memory_space<vmem>> -> memref<1x128xi32, #tpu.memory_space<vmem>>
    %dma_start3A_149 = tpu.memref_squeeze %dma_start3A_148 : memref<1x128xi32, #tpu.memory_space<vmem>> -> memref<128xi32, #tpu.memory_space<vmem>>
    %dma_start3A_150 = arith.constant 0 : i32
    %dma_start3A_151 = arith.constant 0 : i32
    %dma_start3A_152 = tpu.memref_slice %arg7[%dma_start3A_150, %dma_start3A_151] : memref<18x128xf32, #tpu.memory_space<hbm>> -> memref<18x128xf32, #tpu.memory_space<hbm>>
    tpu.enqueue_indirect_dma source(%dma_start3A_152 : memref<18x128xf32, #tpu.memory_space<hbm>>) target(%dma_start3A_146 : memref<128x128xf32, #tpu.memory_space<vmem>>) offsets(%dma_start3A_149 : memref<128xi32, #tpu.memory_space<vmem>>) semaphore(%arg16 : memref<!tpu.dma_semaphore, #tpu.memory_space<semaphore_mem>>)
    %dma_wait3A_153 = arith.constant 3 : i32
    %dma_wait3A_154 = arith.constant 384 : i32
    %dma_wait3A_155 = arith.constant 0 : i32
    %dma_wait3A_156 = tpu.memref_slice %arg15[%dma_wait3A_154, %dma_wait3A_155] : memref<512x128xf32, #tpu.memory_space<vmem>> -> memref<128x128xf32, #tpu.memory_space<vmem>>
    %dma_wait3A_157 = arith.constant 0 : i32
    %dma_wait3A_158 = tpu.memref_slice %arg14[%dma_wait3A_153, %dma_wait3A_157] : memref<4x128xi32, #tpu.memory_space<vmem>> -> memref<1x128xi32, #tpu.memory_space<vmem>>
    %dma_wait3A_159 = tpu.memref_squeeze %dma_wait3A_158 : memref<1x128xi32, #tpu.memory_space<vmem>> -> memref<128xi32, #tpu.memory_space<vmem>>
    %dma_wait3A_160 = arith.constant 0 : i32
    %dma_wait3A_161 = arith.constant 0 : i32
    %dma_wait3A_162 = tpu.memref_slice %arg7[%dma_wait3A_160, %dma_wait3A_161] : memref<18x128xf32, #tpu.memory_space<hbm>> -> memref<18x128xf32, #tpu.memory_space<hbm>>
    tpu.wait_indirect_dma semaphore(%arg16 : memref<!tpu.dma_semaphore, #tpu.memory_space<semaphore_mem>>) src(%dma_wait3A_162 : memref<18x128xf32, #tpu.memory_space<hbm>>) dst(%dma_wait3A_156 : memref<128x128xf32, #tpu.memory_space<vmem>>)
    %mul3A_163 = arith.constant 512 : i32
    %mul3A_164 = arith.muli %add3A, %mul3A_163 : i32
    "tpu.region"() ({
      %run_scoped3A = tpu.sem_alloc : memref<!tpu.dma_semaphore, #tpu.memory_space<semaphore_mem>>
      %dma_start3A_329 = arith.constant 0 : i32
      %dma_start3A_330 = tpu.memref_slice %arg11[%mul3A_164, %dma_start3A_329] : memref<16384x128xf32, #tpu.memory_space<hbm>> -> memref<512x128xf32, #tpu.memory_space<hbm>>
      %dma_start3A_331 = arith.constant 0 : i32
      %dma_start3A_332 = tpu.memref_slice %arg11[%mul3A_164, %dma_start3A_331] : memref<16384x128xf32, #tpu.memory_space<hbm>> -> memref<512x128xf32, #tpu.memory_space<hbm>>
      tpu.enqueue_dma source(%arg15 : memref<512x128xf32, #tpu.memory_space<vmem>>) target(%dma_start3A_332 : memref<512x128xf32, #tpu.memory_space<hbm>>) target_semaphore(%run_scoped3A : memref<!tpu.dma_semaphore, #tpu.memory_space<semaphore_mem>>)
      %dma_wait3A_333 = arith.constant 0 : i32
      %dma_wait3A_334 = tpu.memref_slice %arg11[%mul3A_164, %dma_wait3A_333] : memref<16384x128xf32, #tpu.memory_space<hbm>> -> memref<512x128xf32, #tpu.memory_space<hbm>>
      %dma_wait3A_335 = arith.constant 0 : i32
      %dma_wait3A_336 = tpu.memref_slice %arg11[%mul3A_164, %dma_wait3A_335] : memref<16384x128xf32, #tpu.memory_space<hbm>> -> memref<512x128xf32, #tpu.memory_space<hbm>>
      tpu.wait_dma2 semaphore(%run_scoped3A : memref<!tpu.dma_semaphore, #tpu.memory_space<semaphore_mem>>) src(%arg15 : memref<512x128xf32, #tpu.memory_space<vmem>>) dst(%dma_wait3A_336 : memref<512x128xf32, #tpu.memory_space<hbm>>)
      tpu.yield
    }) : () -> ()
    "tpu.region"() ({
      %run_scoped3A = tpu.sem_alloc : memref<!tpu.dma_semaphore, #tpu.memory_space<semaphore_mem>>
      %dma_start3A_329 = arith.constant 0 : i32
      %dma_start3A_330 = tpu.memref_slice %arg4[%mul3A_2, %dma_start3A_329] : memref<128x128xi32, #tpu.memory_space<hbm>> -> memref<4x128xi32, #tpu.memory_space<hbm>>
      %dma_start3A_331 = arith.constant 0 : i32
      %dma_start3A_332 = tpu.memref_slice %arg4[%mul3A_2, %dma_start3A_331] : memref<128x128xi32, #tpu.memory_space<hbm>> -> memref<4x128xi32, #tpu.memory_space<hbm>>
      tpu.enqueue_dma source(%dma_start3A_332 : memref<4x128xi32, #tpu.memory_space<hbm>>) target(%arg14 : memref<4x128xi32, #tpu.memory_space<vmem>>) target_semaphore(%run_scoped3A : memref<!tpu.dma_semaphore, #tpu.memory_space<semaphore_mem>>)
      %dma_wait3A_333 = arith.constant 0 : i32
      %dma_wait3A_334 = tpu.memref_slice %arg4[%mul3A_2, %dma_wait3A_333] : memref<128x128xi32, #tpu.memory_space<hbm>> -> memref<4x128xi32, #tpu.memory_space<hbm>>
      %dma_wait3A_335 = arith.constant 0 : i32
      %dma_wait3A_336 = tpu.memref_slice %arg4[%mul3A_2, %dma_wait3A_335] : memref<128x128xi32, #tpu.memory_space<hbm>> -> memref<4x128xi32, #tpu.memory_space<hbm>>
      tpu.wait_dma2 semaphore(%run_scoped3A : memref<!tpu.dma_semaphore, #tpu.memory_space<semaphore_mem>>) src(%dma_wait3A_336 : memref<4x128xi32, #tpu.memory_space<hbm>>) dst(%arg14 : memref<4x128xi32, #tpu.memory_space<vmem>>)
      tpu.yield
    }) : () -> ()
    %dma_start3A_165 = arith.constant 0 : i32
    %dma_start3A_166 = arith.constant 0 : i32
    %dma_start3A_167 = arith.constant 0 : i32
    %dma_start3A_168 = tpu.memref_slice %arg15[%dma_start3A_166, %dma_start3A_167] : memref<512x128xf32, #tpu.memory_space<vmem>> -> memref<128x128xf32, #tpu.memory_space<vmem>>
    %dma_start3A_169 = arith.constant 0 : i32
    %dma_start3A_170 = tpu.memref_slice %arg14[%dma_start3A_165, %dma_start3A_169] : memref<4x128xi32, #tpu.memory_space<vmem>> -> memref<1x128xi32, #tpu.memory_space<vmem>>
    %dma_start3A_171 = tpu.memref_squeeze %dma_start3A_170 : memref<1x128xi32, #tpu.memory_space<vmem>> -> memref<128xi32, #tpu.memory_space<vmem>>
    %dma_start3A_172 = arith.constant 0 : i32
    %dma_start3A_173 = arith.constant 0 : i32
    %dma_start3A_174 = tpu.memref_slice %arg8[%dma_start3A_172, %dma_start3A_173] : memref<16x128xf32, #tpu.memory_space<hbm>> -> memref<16x128xf32, #tpu.memory_space<hbm>>
    tpu.enqueue_indirect_dma source(%dma_start3A_174 : memref<16x128xf32, #tpu.memory_space<hbm>>) target(%dma_start3A_168 : memref<128x128xf32, #tpu.memory_space<vmem>>) offsets(%dma_start3A_171 : memref<128xi32, #tpu.memory_space<vmem>>) semaphore(%arg16 : memref<!tpu.dma_semaphore, #tpu.memory_space<semaphore_mem>>)
    %dma_wait3A_175 = arith.constant 0 : i32
    %dma_wait3A_176 = arith.constant 0 : i32
    %dma_wait3A_177 = arith.constant 0 : i32
    %dma_wait3A_178 = tpu.memref_slice %arg15[%dma_wait3A_176, %dma_wait3A_177] : memref<512x128xf32, #tpu.memory_space<vmem>> -> memref<128x128xf32, #tpu.memory_space<vmem>>
    %dma_wait3A_179 = arith.constant 0 : i32
    %dma_wait3A_180 = tpu.memref_slice %arg14[%dma_wait3A_175, %dma_wait3A_179] : memref<4x128xi32, #tpu.memory_space<vmem>> -> memref<1x128xi32, #tpu.memory_space<vmem>>
    %dma_wait3A_181 = tpu.memref_squeeze %dma_wait3A_180 : memref<1x128xi32, #tpu.memory_space<vmem>> -> memref<128xi32, #tpu.memory_space<vmem>>
    %dma_wait3A_182 = arith.constant 0 : i32
    %dma_wait3A_183 = arith.constant 0 : i32
    %dma_wait3A_184 = tpu.memref_slice %arg8[%dma_wait3A_182, %dma_wait3A_183] : memref<16x128xf32, #tpu.memory_space<hbm>> -> memref<16x128xf32, #tpu.memory_space<hbm>>
    tpu.wait_indirect_dma semaphore(%arg16 : memref<!tpu.dma_semaphore, #tpu.memory_space<semaphore_mem>>) src(%dma_wait3A_184 : memref<16x128xf32, #tpu.memory_space<hbm>>) dst(%dma_wait3A_178 : memref<128x128xf32, #tpu.memory_space<vmem>>)
    %dma_start3A_185 = arith.constant 1 : i32
    %dma_start3A_186 = arith.constant 128 : i32
    %dma_start3A_187 = arith.constant 0 : i32
    %dma_start3A_188 = tpu.memref_slice %arg15[%dma_start3A_186, %dma_start3A_187] : memref<512x128xf32, #tpu.memory_space<vmem>> -> memref<128x128xf32, #tpu.memory_space<vmem>>
    %dma_start3A_189 = arith.constant 0 : i32
    %dma_start3A_190 = tpu.memref_slice %arg14[%dma_start3A_185, %dma_start3A_189] : memref<4x128xi32, #tpu.memory_space<vmem>> -> memref<1x128xi32, #tpu.memory_space<vmem>>
    %dma_start3A_191 = tpu.memref_squeeze %dma_start3A_190 : memref<1x128xi32, #tpu.memory_space<vmem>> -> memref<128xi32, #tpu.memory_space<vmem>>
    %dma_start3A_192 = arith.constant 0 : i32
    %dma_start3A_193 = arith.constant 0 : i32
    %dma_start3A_194 = tpu.memref_slice %arg8[%dma_start3A_192, %dma_start3A_193] : memref<16x128xf32, #tpu.memory_space<hbm>> -> memref<16x128xf32, #tpu.memory_space<hbm>>
    tpu.enqueue_indirect_dma source(%dma_start3A_194 : memref<16x128xf32, #tpu.memory_space<hbm>>) target(%dma_start3A_188 : memref<128x128xf32, #tpu.memory_space<vmem>>) offsets(%dma_start3A_191 : memref<128xi32, #tpu.memory_space<vmem>>) semaphore(%arg16 : memref<!tpu.dma_semaphore, #tpu.memory_space<semaphore_mem>>)
    %dma_wait3A_195 = arith.constant 1 : i32
    %dma_wait3A_196 = arith.constant 128 : i32
    %dma_wait3A_197 = arith.constant 0 : i32
    %dma_wait3A_198 = tpu.memref_slice %arg15[%dma_wait3A_196, %dma_wait3A_197] : memref<512x128xf32, #tpu.memory_space<vmem>> -> memref<128x128xf32, #tpu.memory_space<vmem>>
    %dma_wait3A_199 = arith.constant 0 : i32
    %dma_wait3A_200 = tpu.memref_slice %arg14[%dma_wait3A_195, %dma_wait3A_199] : memref<4x128xi32, #tpu.memory_space<vmem>> -> memref<1x128xi32, #tpu.memory_space<vmem>>
    %dma_wait3A_201 = tpu.memref_squeeze %dma_wait3A_200 : memref<1x128xi32, #tpu.memory_space<vmem>> -> memref<128xi32, #tpu.memory_space<vmem>>
    %dma_wait3A_202 = arith.constant 0 : i32
    %dma_wait3A_203 = arith.constant 0 : i32
    %dma_wait3A_204 = tpu.memref_slice %arg8[%dma_wait3A_202, %dma_wait3A_203] : memref<16x128xf32, #tpu.memory_space<hbm>> -> memref<16x128xf32, #tpu.memory_space<hbm>>
    tpu.wait_indirect_dma semaphore(%arg16 : memref<!tpu.dma_semaphore, #tpu.memory_space<semaphore_mem>>) src(%dma_wait3A_204 : memref<16x128xf32, #tpu.memory_space<hbm>>) dst(%dma_wait3A_198 : memref<128x128xf32, #tpu.memory_space<vmem>>)
    %dma_start3A_205 = arith.constant 2 : i32
    %dma_start3A_206 = arith.constant 256 : i32
    %dma_start3A_207 = arith.constant 0 : i32
    %dma_start3A_208 = tpu.memref_slice %arg15[%dma_start3A_206, %dma_start3A_207] : memref<512x128xf32, #tpu.memory_space<vmem>> -> memref<128x128xf32, #tpu.memory_space<vmem>>
    %dma_start3A_209 = arith.constant 0 : i32
    %dma_start3A_210 = tpu.memref_slice %arg14[%dma_start3A_205, %dma_start3A_209] : memref<4x128xi32, #tpu.memory_space<vmem>> -> memref<1x128xi32, #tpu.memory_space<vmem>>
    %dma_start3A_211 = tpu.memref_squeeze %dma_start3A_210 : memref<1x128xi32, #tpu.memory_space<vmem>> -> memref<128xi32, #tpu.memory_space<vmem>>
    %dma_start3A_212 = arith.constant 0 : i32
    %dma_start3A_213 = arith.constant 0 : i32
    %dma_start3A_214 = tpu.memref_slice %arg8[%dma_start3A_212, %dma_start3A_213] : memref<16x128xf32, #tpu.memory_space<hbm>> -> memref<16x128xf32, #tpu.memory_space<hbm>>
    tpu.enqueue_indirect_dma source(%dma_start3A_214 : memref<16x128xf32, #tpu.memory_space<hbm>>) target(%dma_start3A_208 : memref<128x128xf32, #tpu.memory_space<vmem>>) offsets(%dma_start3A_211 : memref<128xi32, #tpu.memory_space<vmem>>) semaphore(%arg16 : memref<!tpu.dma_semaphore, #tpu.memory_space<semaphore_mem>>)
    %dma_wait3A_215 = arith.constant 2 : i32
    %dma_wait3A_216 = arith.constant 256 : i32
    %dma_wait3A_217 = arith.constant 0 : i32
    %dma_wait3A_218 = tpu.memref_slice %arg15[%dma_wait3A_216, %dma_wait3A_217] : memref<512x128xf32, #tpu.memory_space<vmem>> -> memref<128x128xf32, #tpu.memory_space<vmem>>
    %dma_wait3A_219 = arith.constant 0 : i32
    %dma_wait3A_220 = tpu.memref_slice %arg14[%dma_wait3A_215, %dma_wait3A_219] : memref<4x128xi32, #tpu.memory_space<vmem>> -> memref<1x128xi32, #tpu.memory_space<vmem>>
    %dma_wait3A_221 = tpu.memref_squeeze %dma_wait3A_220 : memref<1x128xi32, #tpu.memory_space<vmem>> -> memref<128xi32, #tpu.memory_space<vmem>>
    %dma_wait3A_222 = arith.constant 0 : i32
    %dma_wait3A_223 = arith.constant 0 : i32
    %dma_wait3A_224 = tpu.memref_slice %arg8[%dma_wait3A_222, %dma_wait3A_223] : memref<16x128xf32, #tpu.memory_space<hbm>> -> memref<16x128xf32, #tpu.memory_space<hbm>>
    tpu.wait_indirect_dma semaphore(%arg16 : memref<!tpu.dma_semaphore, #tpu.memory_space<semaphore_mem>>) src(%dma_wait3A_224 : memref<16x128xf32, #tpu.memory_space<hbm>>) dst(%dma_wait3A_218 : memref<128x128xf32, #tpu.memory_space<vmem>>)
    %dma_start3A_225 = arith.constant 3 : i32
    %dma_start3A_226 = arith.constant 384 : i32
    %dma_start3A_227 = arith.constant 0 : i32
    %dma_start3A_228 = tpu.memref_slice %arg15[%dma_start3A_226, %dma_start3A_227] : memref<512x128xf32, #tpu.memory_space<vmem>> -> memref<128x128xf32, #tpu.memory_space<vmem>>
    %dma_start3A_229 = arith.constant 0 : i32
    %dma_start3A_230 = tpu.memref_slice %arg14[%dma_start3A_225, %dma_start3A_229] : memref<4x128xi32, #tpu.memory_space<vmem>> -> memref<1x128xi32, #tpu.memory_space<vmem>>
    %dma_start3A_231 = tpu.memref_squeeze %dma_start3A_230 : memref<1x128xi32, #tpu.memory_space<vmem>> -> memref<128xi32, #tpu.memory_space<vmem>>
    %dma_start3A_232 = arith.constant 0 : i32
    %dma_start3A_233 = arith.constant 0 : i32
    %dma_start3A_234 = tpu.memref_slice %arg8[%dma_start3A_232, %dma_start3A_233] : memref<16x128xf32, #tpu.memory_space<hbm>> -> memref<16x128xf32, #tpu.memory_space<hbm>>
    tpu.enqueue_indirect_dma source(%dma_start3A_234 : memref<16x128xf32, #tpu.memory_space<hbm>>) target(%dma_start3A_228 : memref<128x128xf32, #tpu.memory_space<vmem>>) offsets(%dma_start3A_231 : memref<128xi32, #tpu.memory_space<vmem>>) semaphore(%arg16 : memref<!tpu.dma_semaphore, #tpu.memory_space<semaphore_mem>>)
    %dma_wait3A_235 = arith.constant 3 : i32
    %dma_wait3A_236 = arith.constant 384 : i32
    %dma_wait3A_237 = arith.constant 0 : i32
    %dma_wait3A_238 = tpu.memref_slice %arg15[%dma_wait3A_236, %dma_wait3A_237] : memref<512x128xf32, #tpu.memory_space<vmem>> -> memref<128x128xf32, #tpu.memory_space<vmem>>
    %dma_wait3A_239 = arith.constant 0 : i32
    %dma_wait3A_240 = tpu.memref_slice %arg14[%dma_wait3A_235, %dma_wait3A_239] : memref<4x128xi32, #tpu.memory_space<vmem>> -> memref<1x128xi32, #tpu.memory_space<vmem>>
    %dma_wait3A_241 = tpu.memref_squeeze %dma_wait3A_240 : memref<1x128xi32, #tpu.memory_space<vmem>> -> memref<128xi32, #tpu.memory_space<vmem>>
    %dma_wait3A_242 = arith.constant 0 : i32
    %dma_wait3A_243 = arith.constant 0 : i32
    %dma_wait3A_244 = tpu.memref_slice %arg8[%dma_wait3A_242, %dma_wait3A_243] : memref<16x128xf32, #tpu.memory_space<hbm>> -> memref<16x128xf32, #tpu.memory_space<hbm>>
    tpu.wait_indirect_dma semaphore(%arg16 : memref<!tpu.dma_semaphore, #tpu.memory_space<semaphore_mem>>) src(%dma_wait3A_244 : memref<16x128xf32, #tpu.memory_space<hbm>>) dst(%dma_wait3A_238 : memref<128x128xf32, #tpu.memory_space<vmem>>)
    %mul3A_245 = arith.constant 512 : i32
    %mul3A_246 = arith.muli %add3A, %mul3A_245 : i32
    "tpu.region"() ({
      %run_scoped3A = tpu.sem_alloc : memref<!tpu.dma_semaphore, #tpu.memory_space<semaphore_mem>>
      %dma_start3A_329 = arith.constant 0 : i32
      %dma_start3A_330 = tpu.memref_slice %arg12[%mul3A_246, %dma_start3A_329] : memref<16384x128xf32, #tpu.memory_space<hbm>> -> memref<512x128xf32, #tpu.memory_space<hbm>>
      %dma_start3A_331 = arith.constant 0 : i32
      %dma_start3A_332 = tpu.memref_slice %arg12[%mul3A_246, %dma_start3A_331] : memref<16384x128xf32, #tpu.memory_space<hbm>> -> memref<512x128xf32, #tpu.memory_space<hbm>>
      tpu.enqueue_dma source(%arg15 : memref<512x128xf32, #tpu.memory_space<vmem>>) target(%dma_start3A_332 : memref<512x128xf32, #tpu.memory_space<hbm>>) target_semaphore(%run_scoped3A : memref<!tpu.dma_semaphore, #tpu.memory_space<semaphore_mem>>)
      %dma_wait3A_333 = arith.constant 0 : i32
      %dma_wait3A_334 = tpu.memref_slice %arg12[%mul3A_246, %dma_wait3A_333] : memref<16384x128xf32, #tpu.memory_space<hbm>> -> memref<512x128xf32, #tpu.memory_space<hbm>>
      %dma_wait3A_335 = arith.constant 0 : i32
      %dma_wait3A_336 = tpu.memref_slice %arg12[%mul3A_246, %dma_wait3A_335] : memref<16384x128xf32, #tpu.memory_space<hbm>> -> memref<512x128xf32, #tpu.memory_space<hbm>>
      tpu.wait_dma2 semaphore(%run_scoped3A : memref<!tpu.dma_semaphore, #tpu.memory_space<semaphore_mem>>) src(%arg15 : memref<512x128xf32, #tpu.memory_space<vmem>>) dst(%dma_wait3A_336 : memref<512x128xf32, #tpu.memory_space<hbm>>)
      tpu.yield
    }) : () -> ()
    "tpu.region"() ({
      %run_scoped3A = tpu.sem_alloc : memref<!tpu.dma_semaphore, #tpu.memory_space<semaphore_mem>>
      %dma_start3A_329 = arith.constant 0 : i32
      %dma_start3A_330 = tpu.memref_slice %arg5[%mul3A_2, %dma_start3A_329] : memref<128x128xi32, #tpu.memory_space<hbm>> -> memref<4x128xi32, #tpu.memory_space<hbm>>
      %dma_start3A_331 = arith.constant 0 : i32
      %dma_start3A_332 = tpu.memref_slice %arg5[%mul3A_2, %dma_start3A_331] : memref<128x128xi32, #tpu.memory_space<hbm>> -> memref<4x128xi32, #tpu.memory_space<hbm>>
      tpu.enqueue_dma source(%dma_start3A_332 : memref<4x128xi32, #tpu.memory_space<hbm>>) target(%arg14 : memref<4x128xi32, #tpu.memory_space<vmem>>) target_semaphore(%run_scoped3A : memref<!tpu.dma_semaphore, #tpu.memory_space<semaphore_mem>>)
      %dma_wait3A_333 = arith.constant 0 : i32
      %dma_wait3A_334 = tpu.memref_slice %arg5[%mul3A_2, %dma_wait3A_333] : memref<128x128xi32, #tpu.memory_space<hbm>> -> memref<4x128xi32, #tpu.memory_space<hbm>>
      %dma_wait3A_335 = arith.constant 0 : i32
      %dma_wait3A_336 = tpu.memref_slice %arg5[%mul3A_2, %dma_wait3A_335] : memref<128x128xi32, #tpu.memory_space<hbm>> -> memref<4x128xi32, #tpu.memory_space<hbm>>
      tpu.wait_dma2 semaphore(%run_scoped3A : memref<!tpu.dma_semaphore, #tpu.memory_space<semaphore_mem>>) src(%dma_wait3A_336 : memref<4x128xi32, #tpu.memory_space<hbm>>) dst(%arg14 : memref<4x128xi32, #tpu.memory_space<vmem>>)
      tpu.yield
    }) : () -> ()
    %dma_start3A_247 = arith.constant 0 : i32
    %dma_start3A_248 = arith.constant 0 : i32
    %dma_start3A_249 = arith.constant 0 : i32
    %dma_start3A_250 = tpu.memref_slice %arg15[%dma_start3A_248, %dma_start3A_249] : memref<512x128xf32, #tpu.memory_space<vmem>> -> memref<128x128xf32, #tpu.memory_space<vmem>>
    %dma_start3A_251 = arith.constant 0 : i32
    %dma_start3A_252 = tpu.memref_slice %arg14[%dma_start3A_247, %dma_start3A_251] : memref<4x128xi32, #tpu.memory_space<vmem>> -> memref<1x128xi32, #tpu.memory_space<vmem>>
    %dma_start3A_253 = tpu.memref_squeeze %dma_start3A_252 : memref<1x128xi32, #tpu.memory_space<vmem>> -> memref<128xi32, #tpu.memory_space<vmem>>
    %dma_start3A_254 = arith.constant 0 : i32
    %dma_start3A_255 = arith.constant 0 : i32
    %dma_start3A_256 = tpu.memref_slice %arg9[%dma_start3A_254, %dma_start3A_255] : memref<21x128xf32, #tpu.memory_space<hbm>> -> memref<21x128xf32, #tpu.memory_space<hbm>>
    tpu.enqueue_indirect_dma source(%dma_start3A_256 : memref<21x128xf32, #tpu.memory_space<hbm>>) target(%dma_start3A_250 : memref<128x128xf32, #tpu.memory_space<vmem>>) offsets(%dma_start3A_253 : memref<128xi32, #tpu.memory_space<vmem>>) semaphore(%arg16 : memref<!tpu.dma_semaphore, #tpu.memory_space<semaphore_mem>>)
    %dma_wait3A_257 = arith.constant 0 : i32
    %dma_wait3A_258 = arith.constant 0 : i32
    %dma_wait3A_259 = arith.constant 0 : i32
    %dma_wait3A_260 = tpu.memref_slice %arg15[%dma_wait3A_258, %dma_wait3A_259] : memref<512x128xf32, #tpu.memory_space<vmem>> -> memref<128x128xf32, #tpu.memory_space<vmem>>
    %dma_wait3A_261 = arith.constant 0 : i32
    %dma_wait3A_262 = tpu.memref_slice %arg14[%dma_wait3A_257, %dma_wait3A_261] : memref<4x128xi32, #tpu.memory_space<vmem>> -> memref<1x128xi32, #tpu.memory_space<vmem>>
    %dma_wait3A_263 = tpu.memref_squeeze %dma_wait3A_262 : memref<1x128xi32, #tpu.memory_space<vmem>> -> memref<128xi32, #tpu.memory_space<vmem>>
    %dma_wait3A_264 = arith.constant 0 : i32
    %dma_wait3A_265 = arith.constant 0 : i32
    %dma_wait3A_266 = tpu.memref_slice %arg9[%dma_wait3A_264, %dma_wait3A_265] : memref<21x128xf32, #tpu.memory_space<hbm>> -> memref<21x128xf32, #tpu.memory_space<hbm>>
    tpu.wait_indirect_dma semaphore(%arg16 : memref<!tpu.dma_semaphore, #tpu.memory_space<semaphore_mem>>) src(%dma_wait3A_266 : memref<21x128xf32, #tpu.memory_space<hbm>>) dst(%dma_wait3A_260 : memref<128x128xf32, #tpu.memory_space<vmem>>)
    %dma_start3A_267 = arith.constant 1 : i32
    %dma_start3A_268 = arith.constant 128 : i32
    %dma_start3A_269 = arith.constant 0 : i32
    %dma_start3A_270 = tpu.memref_slice %arg15[%dma_start3A_268, %dma_start3A_269] : memref<512x128xf32, #tpu.memory_space<vmem>> -> memref<128x128xf32, #tpu.memory_space<vmem>>
    %dma_start3A_271 = arith.constant 0 : i32
    %dma_start3A_272 = tpu.memref_slice %arg14[%dma_start3A_267, %dma_start3A_271] : memref<4x128xi32, #tpu.memory_space<vmem>> -> memref<1x128xi32, #tpu.memory_space<vmem>>
    %dma_start3A_273 = tpu.memref_squeeze %dma_start3A_272 : memref<1x128xi32, #tpu.memory_space<vmem>> -> memref<128xi32, #tpu.memory_space<vmem>>
    %dma_start3A_274 = arith.constant 0 : i32
    %dma_start3A_275 = arith.constant 0 : i32
    %dma_start3A_276 = tpu.memref_slice %arg9[%dma_start3A_274, %dma_start3A_275] : memref<21x128xf32, #tpu.memory_space<hbm>> -> memref<21x128xf32, #tpu.memory_space<hbm>>
    tpu.enqueue_indirect_dma source(%dma_start3A_276 : memref<21x128xf32, #tpu.memory_space<hbm>>) target(%dma_start3A_270 : memref<128x128xf32, #tpu.memory_space<vmem>>) offsets(%dma_start3A_273 : memref<128xi32, #tpu.memory_space<vmem>>) semaphore(%arg16 : memref<!tpu.dma_semaphore, #tpu.memory_space<semaphore_mem>>)
    %dma_wait3A_277 = arith.constant 1 : i32
    %dma_wait3A_278 = arith.constant 128 : i32
    %dma_wait3A_279 = arith.constant 0 : i32
    %dma_wait3A_280 = tpu.memref_slice %arg15[%dma_wait3A_278, %dma_wait3A_279] : memref<512x128xf32, #tpu.memory_space<vmem>> -> memref<128x128xf32, #tpu.memory_space<vmem>>
    %dma_wait3A_281 = arith.constant 0 : i32
    %dma_wait3A_282 = tpu.memref_slice %arg14[%dma_wait3A_277, %dma_wait3A_281] : memref<4x128xi32, #tpu.memory_space<vmem>> -> memref<1x128xi32, #tpu.memory_space<vmem>>
    %dma_wait3A_283 = tpu.memref_squeeze %dma_wait3A_282 : memref<1x128xi32, #tpu.memory_space<vmem>> -> memref<128xi32, #tpu.memory_space<vmem>>
    %dma_wait3A_284 = arith.constant 0 : i32
    %dma_wait3A_285 = arith.constant 0 : i32
    %dma_wait3A_286 = tpu.memref_slice %arg9[%dma_wait3A_284, %dma_wait3A_285] : memref<21x128xf32, #tpu.memory_space<hbm>> -> memref<21x128xf32, #tpu.memory_space<hbm>>
    tpu.wait_indirect_dma semaphore(%arg16 : memref<!tpu.dma_semaphore, #tpu.memory_space<semaphore_mem>>) src(%dma_wait3A_286 : memref<21x128xf32, #tpu.memory_space<hbm>>) dst(%dma_wait3A_280 : memref<128x128xf32, #tpu.memory_space<vmem>>)
    %dma_start3A_287 = arith.constant 2 : i32
    %dma_start3A_288 = arith.constant 256 : i32
    %dma_start3A_289 = arith.constant 0 : i32
    %dma_start3A_290 = tpu.memref_slice %arg15[%dma_start3A_288, %dma_start3A_289] : memref<512x128xf32, #tpu.memory_space<vmem>> -> memref<128x128xf32, #tpu.memory_space<vmem>>
    %dma_start3A_291 = arith.constant 0 : i32
    %dma_start3A_292 = tpu.memref_slice %arg14[%dma_start3A_287, %dma_start3A_291] : memref<4x128xi32, #tpu.memory_space<vmem>> -> memref<1x128xi32, #tpu.memory_space<vmem>>
    %dma_start3A_293 = tpu.memref_squeeze %dma_start3A_292 : memref<1x128xi32, #tpu.memory_space<vmem>> -> memref<128xi32, #tpu.memory_space<vmem>>
    %dma_start3A_294 = arith.constant 0 : i32
    %dma_start3A_295 = arith.constant 0 : i32
    %dma_start3A_296 = tpu.memref_slice %arg9[%dma_start3A_294, %dma_start3A_295] : memref<21x128xf32, #tpu.memory_space<hbm>> -> memref<21x128xf32, #tpu.memory_space<hbm>>
    tpu.enqueue_indirect_dma source(%dma_start3A_296 : memref<21x128xf32, #tpu.memory_space<hbm>>) target(%dma_start3A_290 : memref<128x128xf32, #tpu.memory_space<vmem>>) offsets(%dma_start3A_293 : memref<128xi32, #tpu.memory_space<vmem>>) semaphore(%arg16 : memref<!tpu.dma_semaphore, #tpu.memory_space<semaphore_mem>>)
    %dma_wait3A_297 = arith.constant 2 : i32
    %dma_wait3A_298 = arith.constant 256 : i32
    %dma_wait3A_299 = arith.constant 0 : i32
    %dma_wait3A_300 = tpu.memref_slice %arg15[%dma_wait3A_298, %dma_wait3A_299] : memref<512x128xf32, #tpu.memory_space<vmem>> -> memref<128x128xf32, #tpu.memory_space<vmem>>
    %dma_wait3A_301 = arith.constant 0 : i32
    %dma_wait3A_302 = tpu.memref_slice %arg14[%dma_wait3A_297, %dma_wait3A_301] : memref<4x128xi32, #tpu.memory_space<vmem>> -> memref<1x128xi32, #tpu.memory_space<vmem>>
    %dma_wait3A_303 = tpu.memref_squeeze %dma_wait3A_302 : memref<1x128xi32, #tpu.memory_space<vmem>> -> memref<128xi32, #tpu.memory_space<vmem>>
    %dma_wait3A_304 = arith.constant 0 : i32
    %dma_wait3A_305 = arith.constant 0 : i32
    %dma_wait3A_306 = tpu.memref_slice %arg9[%dma_wait3A_304, %dma_wait3A_305] : memref<21x128xf32, #tpu.memory_space<hbm>> -> memref<21x128xf32, #tpu.memory_space<hbm>>
    tpu.wait_indirect_dma semaphore(%arg16 : memref<!tpu.dma_semaphore, #tpu.memory_space<semaphore_mem>>) src(%dma_wait3A_306 : memref<21x128xf32, #tpu.memory_space<hbm>>) dst(%dma_wait3A_300 : memref<128x128xf32, #tpu.memory_space<vmem>>)
    %dma_start3A_307 = arith.constant 3 : i32
    %dma_start3A_308 = arith.constant 384 : i32
    %dma_start3A_309 = arith.constant 0 : i32
    %dma_start3A_310 = tpu.memref_slice %arg15[%dma_start3A_308, %dma_start3A_309] : memref<512x128xf32, #tpu.memory_space<vmem>> -> memref<128x128xf32, #tpu.memory_space<vmem>>
    %dma_start3A_311 = arith.constant 0 : i32
    %dma_start3A_312 = tpu.memref_slice %arg14[%dma_start3A_307, %dma_start3A_311] : memref<4x128xi32, #tpu.memory_space<vmem>> -> memref<1x128xi32, #tpu.memory_space<vmem>>
    %dma_start3A_313 = tpu.memref_squeeze %dma_start3A_312 : memref<1x128xi32, #tpu.memory_space<vmem>> -> memref<128xi32, #tpu.memory_space<vmem>>
    %dma_start3A_314 = arith.constant 0 : i32
    %dma_start3A_315 = arith.constant 0 : i32
    %dma_start3A_316 = tpu.memref_slice %arg9[%dma_start3A_314, %dma_start3A_315] : memref<21x128xf32, #tpu.memory_space<hbm>> -> memref<21x128xf32, #tpu.memory_space<hbm>>
    tpu.enqueue_indirect_dma source(%dma_start3A_316 : memref<21x128xf32, #tpu.memory_space<hbm>>) target(%dma_start3A_310 : memref<128x128xf32, #tpu.memory_space<vmem>>) offsets(%dma_start3A_313 : memref<128xi32, #tpu.memory_space<vmem>>) semaphore(%arg16 : memref<!tpu.dma_semaphore, #tpu.memory_space<semaphore_mem>>)
    %dma_wait3A_317 = arith.constant 3 : i32
    %dma_wait3A_318 = arith.constant 384 : i32
    %dma_wait3A_319 = arith.constant 0 : i32
    %dma_wait3A_320 = tpu.memref_slice %arg15[%dma_wait3A_318, %dma_wait3A_319] : memref<512x128xf32, #tpu.memory_space<vmem>> -> memref<128x128xf32, #tpu.memory_space<vmem>>
    %dma_wait3A_321 = arith.constant 0 : i32
    %dma_wait3A_322 = tpu.memref_slice %arg14[%dma_wait3A_317, %dma_wait3A_321] : memref<4x128xi32, #tpu.memory_space<vmem>> -> memref<1x128xi32, #tpu.memory_space<vmem>>
    %dma_wait3A_323 = tpu.memref_squeeze %dma_wait3A_322 : memref<1x128xi32, #tpu.memory_space<vmem>> -> memref<128xi32, #tpu.memory_space<vmem>>
    %dma_wait3A_324 = arith.constant 0 : i32
    %dma_wait3A_325 = arith.constant 0 : i32
    %dma_wait3A_326 = tpu.memref_slice %arg9[%dma_wait3A_324, %dma_wait3A_325] : memref<21x128xf32, #tpu.memory_space<hbm>> -> memref<21x128xf32, #tpu.memory_space<hbm>>
    tpu.wait_indirect_dma semaphore(%arg16 : memref<!tpu.dma_semaphore, #tpu.memory_space<semaphore_mem>>) src(%dma_wait3A_326 : memref<21x128xf32, #tpu.memory_space<hbm>>) dst(%dma_wait3A_320 : memref<128x128xf32, #tpu.memory_space<vmem>>)
    %mul3A_327 = arith.constant 512 : i32
    %mul3A_328 = arith.muli %add3A, %mul3A_327 : i32
    "tpu.region"() ({
      %run_scoped3A = tpu.sem_alloc : memref<!tpu.dma_semaphore, #tpu.memory_space<semaphore_mem>>
      %dma_start3A_329 = arith.constant 0 : i32
      %dma_start3A_330 = tpu.memref_slice %arg13[%mul3A_328, %dma_start3A_329] : memref<16384x128xf32, #tpu.memory_space<hbm>> -> memref<512x128xf32, #tpu.memory_space<hbm>>
      %dma_start3A_331 = arith.constant 0 : i32
      %dma_start3A_332 = tpu.memref_slice %arg13[%mul3A_328, %dma_start3A_331] : memref<16384x128xf32, #tpu.memory_space<hbm>> -> memref<512x128xf32, #tpu.memory_space<hbm>>
      tpu.enqueue_dma source(%arg15 : memref<512x128xf32, #tpu.memory_space<vmem>>) target(%dma_start3A_332 : memref<512x128xf32, #tpu.memory_space<hbm>>) target_semaphore(%run_scoped3A : memref<!tpu.dma_semaphore, #tpu.memory_space<semaphore_mem>>)
      %dma_wait3A_333 = arith.constant 0 : i32
      %dma_wait3A_334 = tpu.memref_slice %arg13[%mul3A_328, %dma_wait3A_333] : memref<16384x128xf32, #tpu.memory_space<hbm>> -> memref<512x128xf32, #tpu.memory_space<hbm>>
      %dma_wait3A_335 = arith.constant 0 : i32
      %dma_wait3A_336 = tpu.memref_slice %arg13[%mul3A_328, %dma_wait3A_335] : memref<16384x128xf32, #tpu.memory_space<hbm>> -> memref<512x128xf32, #tpu.memory_space<hbm>>
      tpu.wait_dma2 semaphore(%run_scoped3A : memref<!tpu.dma_semaphore, #tpu.memory_space<semaphore_mem>>) src(%arg15 : memref<512x128xf32, #tpu.memory_space<vmem>>) dst(%dma_wait3A_336 : memref<512x128xf32, #tpu.memory_space<hbm>>)
      tpu.yield
    }) : () -> ()
    return
  }
}

module attributes {stable_mosaic.version = 14 : i64} {
  func.func @_tc_mlp(%arg0: i32, %arg1: memref<4096x13xf32, #tpu.memory_space<vmem>>, %arg2: memref<4096x128xf32, #tpu.memory_space<vmem>>, %arg3: memref<4096x128xf32, #tpu.memory_space<vmem>>, %arg4: memref<4096x128xf32, #tpu.memory_space<vmem>>, %arg5: memref<4096x128xf32, #tpu.memory_space<vmem>>, %arg6: memref<141x128xf32, #tpu.memory_space<vmem>>, %arg7: memref<1x128xf32, #tpu.memory_space<vmem>>, %arg8: memref<128x64xf32, #tpu.memory_space<vmem>>, %arg9: memref<1x64xf32, #tpu.memory_space<vmem>>, %arg10: memref<64x1xf32, #tpu.memory_space<vmem>>, %arg11: memref<1x1xf32, #tpu.memory_space<vmem>>, %arg12: memref<4096x1xf32, #tpu.memory_space<vmem>>) attributes {dimension_semantics = [#tpu.dimension_semantics<arbitrary>], iteration_bounds = array<i64: 4>, scalar_prefetch = 0 : i64, scratch_operands = 0 : i64, tpu.core_type = #tpu.core_type<tc>, window_params = [{transform_indices = @transform_0, window_bounds = array<i64: 4096, 13>}, {transform_indices = @transform_1, window_bounds = array<i64: 4096, 128>}, {transform_indices = @transform_2, window_bounds = array<i64: 4096, 128>}, {transform_indices = @transform_3, window_bounds = array<i64: 4096, 128>}, {transform_indices = @transform_4, window_bounds = array<i64: 4096, 128>}, {pipeline_mode = #tpu.pipeline_mode<synchronous>, transform_indices = @transform_5, window_bounds = array<i64: 141, 128>}, {pipeline_mode = #tpu.pipeline_mode<synchronous>, transform_indices = @transform_6, window_bounds = array<i64: 1, 128>}, {pipeline_mode = #tpu.pipeline_mode<synchronous>, transform_indices = @transform_7, window_bounds = array<i64: 128, 64>}, {pipeline_mode = #tpu.pipeline_mode<synchronous>, transform_indices = @transform_8, window_bounds = array<i64: 1, 64>}, {pipeline_mode = #tpu.pipeline_mode<synchronous>, transform_indices = @transform_9, window_bounds = array<i64: 64, 1>}, {pipeline_mode = #tpu.pipeline_mode<synchronous>, transform_indices = @transform_10, window_bounds = array<i64: 1, 1>}, {transform_indices = @transform_11, window_bounds = array<i64: 4096, 1>}]} {
    %get3A = arith.constant 0 : index
    %get3A_0 = arith.constant 0 : index
    %get3A_1 = vector.load %arg1[%get3A, %get3A_0] : memref<4096x13xf32, #tpu.memory_space<vmem>>, vector<4096x13xf32>
    %get3A_2 = arith.constant 0 : index
    %get3A_3 = arith.constant 0 : index
    %get3A_4 = vector.load %arg6[%get3A_2, %get3A_3] : memref<141x128xf32, #tpu.memory_space<vmem>>, vector<13x128xf32>
    %dot_general3A = arith.constant dense<0.000000e+00> : vector<4096x128xf32>
    %dot_general3A_5 = tpu.matmul %get3A_1, %get3A_4, %dot_general3A {dimension_numbers = #tpu.dot_dimension_numbers<[1], [0], [0], [1], [0, 0, 1, 1], [], []>, transpose_lhs_hint = false} : vector<4096x13xf32>, vector<13x128xf32>, vector<4096x128xf32> -> vector<4096x128xf32>
    %broadcast_in_dim3A = arith.constant 0.000000e+00 : f32
    %broadcast_in_dim3A_6 = vector.broadcast %broadcast_in_dim3A : f32 to vector<96x128xf32>
    %get3A_7 = arith.constant 13 : index
    %get3A_8 = arith.constant 0 : index
    %get3A_9 = vector.load %arg6[%get3A_7, %get3A_8] : memref<141x128xf32, #tpu.memory_space<vmem>>, vector<32x128xf32>
    %concatenate3A = tpu.concatenate %get3A_9, %broadcast_in_dim3A_6 in 0 : vector<32x128xf32>, vector<96x128xf32> -> vector<128x128xf32>
    %get3A_10 = arith.constant 0 : index
    %get3A_11 = arith.constant 0 : index
    %get3A_12 = vector.load %arg2[%get3A_10, %get3A_11] : memref<4096x128xf32, #tpu.memory_space<vmem>>, vector<4096x128xf32>
    %dot_general3A_13 = arith.constant dense<0.000000e+00> : vector<4096x128xf32>
    %dot_general3A_14 = tpu.matmul %get3A_12, %concatenate3A, %dot_general3A_13 {dimension_numbers = #tpu.dot_dimension_numbers<[1], [0], [0], [1], [0, 0, 1, 1], [], []>, transpose_lhs_hint = false} : vector<4096x128xf32>, vector<128x128xf32>, vector<4096x128xf32> -> vector<4096x128xf32>
    %add3A = arith.addf %dot_general3A_5, %dot_general3A_14 : vector<4096x128xf32>
    %get3A_15 = arith.constant 45 : index
    %get3A_16 = arith.constant 0 : index
    %get3A_17 = vector.load %arg6[%get3A_15, %get3A_16] : memref<141x128xf32, #tpu.memory_space<vmem>>, vector<32x128xf32>
    %concatenate3A_18 = tpu.concatenate %get3A_17, %broadcast_in_dim3A_6 in 0 : vector<32x128xf32>, vector<96x128xf32> -> vector<128x128xf32>
    %get3A_19 = arith.constant 0 : index
    %get3A_20 = arith.constant 0 : index
    %get3A_21 = vector.load %arg3[%get3A_19, %get3A_20] : memref<4096x128xf32, #tpu.memory_space<vmem>>, vector<4096x128xf32>
    %dot_general3A_22 = arith.constant dense<0.000000e+00> : vector<4096x128xf32>
    %dot_general3A_23 = tpu.matmul %get3A_21, %concatenate3A_18, %dot_general3A_22 {dimension_numbers = #tpu.dot_dimension_numbers<[1], [0], [0], [1], [0, 0, 1, 1], [], []>, transpose_lhs_hint = false} : vector<4096x128xf32>, vector<128x128xf32>, vector<4096x128xf32> -> vector<4096x128xf32>
    %add3A_24 = arith.addf %add3A, %dot_general3A_23 : vector<4096x128xf32>
    %get3A_25 = arith.constant 77 : index
    %get3A_26 = arith.constant 0 : index
    %get3A_27 = vector.load %arg6[%get3A_25, %get3A_26] : memref<141x128xf32, #tpu.memory_space<vmem>>, vector<32x128xf32>
    %concatenate3A_28 = tpu.concatenate %get3A_27, %broadcast_in_dim3A_6 in 0 : vector<32x128xf32>, vector<96x128xf32> -> vector<128x128xf32>
    %get3A_29 = arith.constant 0 : index
    %get3A_30 = arith.constant 0 : index
    %get3A_31 = vector.load %arg4[%get3A_29, %get3A_30] : memref<4096x128xf32, #tpu.memory_space<vmem>>, vector<4096x128xf32>
    %dot_general3A_32 = arith.constant dense<0.000000e+00> : vector<4096x128xf32>
    %dot_general3A_33 = tpu.matmul %get3A_31, %concatenate3A_28, %dot_general3A_32 {dimension_numbers = #tpu.dot_dimension_numbers<[1], [0], [0], [1], [0, 0, 1, 1], [], []>, transpose_lhs_hint = false} : vector<4096x128xf32>, vector<128x128xf32>, vector<4096x128xf32> -> vector<4096x128xf32>
    %add3A_34 = arith.addf %add3A_24, %dot_general3A_33 : vector<4096x128xf32>
    %get3A_35 = arith.constant 109 : index
    %get3A_36 = arith.constant 0 : index
    %get3A_37 = vector.load %arg6[%get3A_35, %get3A_36] : memref<141x128xf32, #tpu.memory_space<vmem>>, vector<32x128xf32>
    %concatenate3A_38 = tpu.concatenate %get3A_37, %broadcast_in_dim3A_6 in 0 : vector<32x128xf32>, vector<96x128xf32> -> vector<128x128xf32>
    %get3A_39 = arith.constant 0 : index
    %get3A_40 = arith.constant 0 : index
    %get3A_41 = vector.load %arg5[%get3A_39, %get3A_40] : memref<4096x128xf32, #tpu.memory_space<vmem>>, vector<4096x128xf32>
    %dot_general3A_42 = arith.constant dense<0.000000e+00> : vector<4096x128xf32>
    %dot_general3A_43 = tpu.matmul %get3A_41, %concatenate3A_38, %dot_general3A_42 {dimension_numbers = #tpu.dot_dimension_numbers<[1], [0], [0], [1], [0, 0, 1, 1], [], []>, transpose_lhs_hint = false} : vector<4096x128xf32>, vector<128x128xf32>, vector<4096x128xf32> -> vector<4096x128xf32>
    %add3A_44 = arith.addf %add3A_34, %dot_general3A_43 : vector<4096x128xf32>
    %get3A_45 = arith.constant 0 : index
    %get3A_46 = arith.constant 0 : index
    %get3A_47 = vector.load %arg7[%get3A_45, %get3A_46] : memref<1x128xf32, #tpu.memory_space<vmem>>, vector<1x128xf32>
    %add3A_48 = vector.broadcast %get3A_47 : vector<1x128xf32> to vector<4096x128xf32>
    %add3A_49 = arith.addf %add3A_44, %add3A_48 : vector<4096x128xf32>
    %max3A = arith.constant 0.000000e+00 : f32
    %max3A_50 = vector.broadcast %max3A : f32 to vector<4096x128xf32>
    %max3A_51 = arith.maximumf %add3A_49, %max3A_50 : vector<4096x128xf32>
    %get3A_52 = arith.constant 0 : index
    %get3A_53 = arith.constant 0 : index
    %get3A_54 = vector.load %arg8[%get3A_52, %get3A_53] : memref<128x64xf32, #tpu.memory_space<vmem>>, vector<128x64xf32>
    %dot_general3A_55 = arith.constant dense<0.000000e+00> : vector<4096x64xf32>
    %dot_general3A_56 = tpu.matmul %max3A_51, %get3A_54, %dot_general3A_55 {dimension_numbers = #tpu.dot_dimension_numbers<[1], [0], [0], [1], [0, 0, 1, 1], [], []>, transpose_lhs_hint = false} : vector<4096x128xf32>, vector<128x64xf32>, vector<4096x64xf32> -> vector<4096x64xf32>
    %get3A_57 = arith.constant 0 : index
    %get3A_58 = arith.constant 0 : index
    %get3A_59 = vector.load %arg9[%get3A_57, %get3A_58] : memref<1x64xf32, #tpu.memory_space<vmem>>, vector<1x64xf32>
    %add3A_60 = vector.broadcast %get3A_59 : vector<1x64xf32> to vector<4096x64xf32>
    %add3A_61 = arith.addf %dot_general3A_56, %add3A_60 : vector<4096x64xf32>
    %max3A_62 = arith.constant 0.000000e+00 : f32
    %max3A_63 = vector.broadcast %max3A_62 : f32 to vector<4096x64xf32>
    %max3A_64 = arith.maximumf %add3A_61, %max3A_63 : vector<4096x64xf32>
    %get3A_65 = arith.constant 0 : index
    %get3A_66 = arith.constant 0 : index
    %get3A_67 = vector.load %arg10[%get3A_65, %get3A_66] : memref<64x1xf32, #tpu.memory_space<vmem>>, vector<64x1xf32>
    %dot_general3A_68 = arith.constant dense<0.000000e+00> : vector<4096x1xf32>
    %dot_general3A_69 = tpu.matmul %max3A_64, %get3A_67, %dot_general3A_68 {dimension_numbers = #tpu.dot_dimension_numbers<[1], [0], [0], [1], [0, 0, 1, 1], [], []>, transpose_lhs_hint = false} : vector<4096x64xf32>, vector<64x1xf32>, vector<4096x1xf32> -> vector<4096x1xf32>
    %get3A_70 = arith.constant 0 : index
    %get3A_71 = arith.constant 0 : index
    %get3A_72 = vector.load %arg11[%get3A_70, %get3A_71] : memref<1x1xf32, #tpu.memory_space<vmem>>, vector<1x1xf32>
    %add3A_73 = vector.broadcast %get3A_72 : vector<1x1xf32> to vector<4096x1xf32>
    %add3A_74 = arith.addf %dot_general3A_69, %add3A_73 : vector<4096x1xf32>
    %swap3A = arith.constant 0 : index
    %swap3A_75 = arith.constant 0 : index
    %swap3A_76 = vector.load %arg12[%swap3A, %swap3A_75] : memref<4096x1xf32, #tpu.memory_space<vmem>>, vector<4096x1xf32>
    tpu.vector_store %arg12[%swap3A, %swap3A_75], %add3A_74 {strides = array<i32>} : memref<4096x1xf32, #tpu.memory_space<vmem>>, vector<4096x1xf32>,
    return
  }
  func.func @transform_0(%arg0: i32) -> (i32, i32) {
    %c0_i32 = arith.constant 0 : i32
    %c0_i32_0 = arith.constant 0 : i32
    return %arg0, %c0_i32 : i32, i32
  }
  func.func @transform_1(%arg0: i32) -> (i32, i32) {
    %c0_i32 = arith.constant 0 : i32
    %c0_i32_0 = arith.constant 0 : i32
    return %arg0, %c0_i32 : i32, i32
  }
  func.func @transform_2(%arg0: i32) -> (i32, i32) {
    %c0_i32 = arith.constant 0 : i32
    %c0_i32_0 = arith.constant 0 : i32
    return %arg0, %c0_i32 : i32, i32
  }
  func.func @transform_3(%arg0: i32) -> (i32, i32) {
    %c0_i32 = arith.constant 0 : i32
    %c0_i32_0 = arith.constant 0 : i32
    return %arg0, %c0_i32 : i32, i32
  }
  func.func @transform_4(%arg0: i32) -> (i32, i32) {
    %c0_i32 = arith.constant 0 : i32
    %c0_i32_0 = arith.constant 0 : i32
    return %arg0, %c0_i32 : i32, i32
  }
  func.func @transform_5(%arg0: i32) -> (i32, i32) {
    %c0_i32 = arith.constant 0 : i32
    %c0_i32_0 = arith.constant 0 : i32
    %c0_i32_1 = arith.constant 0 : i32
    return %c0_i32, %c0_i32_0 : i32, i32
  }
  func.func @transform_6(%arg0: i32) -> (i32, i32) {
    %c0_i32 = arith.constant 0 : i32
    %c0_i32_0 = arith.constant 0 : i32
    %c0_i32_1 = arith.constant 0 : i32
    return %c0_i32, %c0_i32_0 : i32, i32
  }
  func.func @transform_7(%arg0: i32) -> (i32, i32) {
    %c0_i32 = arith.constant 0 : i32
    %c0_i32_0 = arith.constant 0 : i32
    %c0_i32_1 = arith.constant 0 : i32
    return %c0_i32, %c0_i32_0 : i32, i32
  }
  func.func @transform_8(%arg0: i32) -> (i32, i32) {
    %c0_i32 = arith.constant 0 : i32
    %c0_i32_0 = arith.constant 0 : i32
    %c0_i32_1 = arith.constant 0 : i32
    return %c0_i32, %c0_i32_0 : i32, i32
  }
  func.func @transform_9(%arg0: i32) -> (i32, i32) {
    %c0_i32 = arith.constant 0 : i32
    %c0_i32_0 = arith.constant 0 : i32
    %c0_i32_1 = arith.constant 0 : i32
    return %c0_i32, %c0_i32_0 : i32, i32
  }
  func.func @transform_10(%arg0: i32) -> (i32, i32) {
    %c0_i32 = arith.constant 0 : i32
    %c0_i32_0 = arith.constant 0 : i32
    %c0_i32_1 = arith.constant 0 : i32
    return %c0_i32, %c0_i32_0 : i32, i32
  }
  func.func @transform_11(%arg0: i32) -> (i32, i32) {
    %c0_i32 = arith.constant 0 : i32
    %c0_i32_0 = arith.constant 0 : i32
    return %arg0, %c0_i32 : i32, i32
  }
}

</mosaic_0001>

<sc_bundles>
// kernel: kernel.4.cloned.1.call-start
scs
__scs_entry_jumppad:
0x0: {  	(pc) =	sbr.rel $0x88, $3  }
0x1: {  	(tag) =	ssettag $0x0;
	lr =	simm.s32 $0x1  }
0x2: {  	[smem:$0x3F92] =	sst lr;
	_ =	strace $0xD0000000  }
0x3: {  	_ = 	snop  }
0x4: {  	_ = 	snop  }
0x5: {  	_ = 	snop  }
0x6: {  	_ = 	snop  }
0x7: {  	_ = 	snop  }
__scs_overlays_trampoline_lowered:
0x8: {  	[smem:$0x3FA1] =	sst s0  }
0x9: {  	[smem:$0x3FA2] =	sst s1  }
0xa: {  	[smem:$0x3FA3] =	sst s2  }
0xb: {  	[smem:$0x3FA4] =	sst s3  }
0xc: {  	[smem:$0x3FA5] =	sst s4  }
0xd: {  	[smem:$0x3FA6] =	sst s5  }
0xe: {  	[smem:$0x3FA7] =	sst s6  }
0xf: {  	[smem:$0x3FA8] =	sst s7  }
0x10: {  	[smem:$0x3FA9] =	sst s8  }
0x11: {  	[smem:$0x3FAA] =	sst s9;
	s0 =	simm.s32 @!p0 $0x0  }
0x12: {  	s1 =	sld [smem:$0x3F90];
	s0 =	simm.s32 @p0 $0x1  }
0x13: {  	[smem:$0x3FAB] =	sst s0;
	s0 =	simm.s32 @!p1 $0x0  }
0x14: {  	s2 =	sld [smem:$0x3F8F];
	s0 =	simm.s32 @p1 $0x1  }
0x15: {  	[smem:$0x3FAC] =	sst s0;
	s0 =	simm.s32 @!p2 $0x0  }
0x16: {  	s3 =	sld [smem:$0x3FDB];
	s0 =	simm.s32 @p2 $0x1  }
0x17: {  	s4 =	simm.s32 $0x1BF5;
	[smem:$0x3FAE] =	sst s0  }
0x18: {  	s0 =	sld [smem:$0x3F91];
	_ =	swait.ge [sflag:s4], $0x0  }
0x19: {  	s7 =	sld [smem:$0x3F92]  }
0x1a: {  	s8 =	sadd.s32 $0xFFFFE003, lr  }
0x1b: {  	s9 =	sadd.s32 $0xFFFFFEF7, lr;
	s5 =	simm.s32 $0xFFFFFFFF;
	p2 =	slt.u32 s8, $0xFFFFF086  }
0x1c: {  	p1 =	slt.u32 s9, $0xF7A;
	s5 =	simm.s32 @!p2 $0x0  }
0x1d: {  	s5 =	simm.s32 @p1 $0x1;
	p0 =	seq.s32 s7, s2  }
0x1e: {  	s7 =	smul.u32 @!p0 $0xF7A, s2;
	p2 =	seq.s32 @!p0 s5, $0x0  }
0x1f: {  	s9 =	smul.u32 $0xF7A, s1;
	s8 =	simm.s32 @!p0 $0x1BF5;
	p2 =	por !p2, p0  }
0x20: {  	[sflag:s8] =	ssyncset.s32 @!p0 $0xFFFFF086;
	s6 =	sadd.s32 @!p0 s3, s7;
	s7 =	simm.s32 @!p0 $0x108  }
0x21: {  	s3 =	sadd.s32 s3, s9;
	s6 =	sadd.s32 @!p0 $0x88, s6;
	s7 =	simm.s32 @p2 $0x1082  }
0x22: {  	[simem:s7], [sflag:s8] =	dma.local @!p0 [hbm:s6], $0xF7A  }
0x23: {  	s9 =	sor.u32 $0xD0000000, s2;
	s6 =	simm.s32 $0x108;
	_ =	swait.ge @!p0 [sflag:s8], $0x0  }
0x24: {  	s3 =	sadd.s32 $0x88, s3;
	s6 =	simm.s32 @!p1 $0x1082;
	[sflag:s4] =	ssyncset.s32 $0xFFFFF086  }
0x25: {  	[simem:s6], [sflag:s4] =	dma.local [hbm:s3], $0xF7A  }
0x26: {  	[smem:$0x3F92] =	sst s1;
	(tag) =	ssettag s2;
	_ =	strace s9  }
0x27: {  	s1 =	sld [smem:$0x3FA2]  }
0x28: {  	s2 =	sld [smem:$0x3FA3]  }
0x29: {  	s4 =	sld [smem:$0x3FA5]  }
0x2a: {  	p0 =	seq.s32 s5, $0x0;
	s5 =	sld [smem:$0x3FA6]  }
0x2b: {  	s6 =	sld [smem:$0x3FA7]  }
0x2c: {  	s7 =	sld [smem:$0x3FA8]  }
0x2d: {  	s3 =	simm.s32 $0x108;
	s8 =	sld [smem:$0x3FA9]  }
0x2e: {  	s3 =	simm.s32 @!p0 $0x1082;
	s9 =	sld [smem:$0x3FAA]  }
0x2f: {  	lr =	sadd.s32 s0, s3;
	s0 =	sld [smem:$0x3FA1]  }
0x30: {  	s3 =	sld [smem:$0x3FA4]  }
0x31: {  	[smem:$0x3FAD] =	sst s10  }
0x32: {  	s10 =	sld [smem:$0x3FAB];
	_ =	sdelay $0x3  }
0x33: {  	p0 =	seq.s32 s10, $0x1;
	s10 =	sld [smem:$0x3FAD];
	_ =	sdelay $0x3  }
0x34: {  	[smem:$0x3FAD] =	sst s10  }
0x35: {  	s10 =	sld [smem:$0x3FAC];
	_ =	sdelay $0x3  }
0x36: {  	p1 =	seq.s32 s10, $0x1;
	s10 =	sld [smem:$0x3FAD];
	_ =	sdelay $0x3  }
0x37: {  	[smem:$0x3FAD] =	sst s10  }
0x38: {  	s10 =	sld [smem:$0x3FAE]  }
0x39: {  	_ = 	snop;
	(pc) =	sbr.ind lr, $3  }
0x3a: {  	_ = 	snop  }
0x3b: {  	_ = 	snop  }
0x3c: {  	p2 =	seq.s32 s10, $0x1;
	s10 =	sld [smem:$0x3FAD]  }
0x3d: {  	_ =	shalt  }
0x3e: {  	_ =	shalt  }
0x3f: {  	_ =	shalt  }
0x40: {  	_ =	shalt  }
0x41: {  	_ =	shalt  }
0x42: {  	_ =	shalt  }
0x43: {  	_ =	shalt  }
0x44: {  	_ =	shalt  }
0x45: {  	_ =	shalt  }
0x46: {  	_ =	shalt  }
0x47: {  	_ =	shalt  }
0x48: {  	_ =	shalt  }
0x49: {  	_ =	shalt  }
0x4a: {  	_ =	shalt  }
0x4b: {  	_ =	shalt  }
0x4c: {  	_ =	shalt  }
0x4d: {  	_ =	shalt  }
0x4e: {  	_ =	shalt  }
0x4f: {  	_ =	shalt  }
0x50: {  	_ =	shalt  }
0x51: {  	_ =	shalt  }
0x52: {  	_ =	shalt  }
0x53: {  	_ =	shalt  }
0x54: {  	_ =	shalt  }
0x55: {  	_ =	shalt  }
0x56: {  	_ =	shalt  }
0x57: {  	_ =	shalt  }
0x58: {  	_ =	shalt  }
0x59: {  	_ =	shalt  }
0x5a: {  	_ =	shalt  }
0x5b: {  	_ =	shalt  }
0x5c: {  	_ =	shalt  }
0x5d: {  	_ =	shalt  }
0x5e: {  	_ =	shalt  }
0x5f: {  	_ =	shalt  }
0x60: {  	_ =	shalt  }
0x61: {  	_ =	shalt  }
0x62: {  	_ =	shalt  }
0x63: {  	_ =	shalt  }
0x64: {  	_ =	shalt  }
0x65: {  	_ =	shalt  }
0x66: {  	_ =	shalt  }
0x67: {  	_ =	shalt  }
0x68: {  	_ =	shalt  }
0x69: {  	_ =	shalt  }
0x6a: {  	_ =	shalt  }
0x6b: {  	_ =	shalt  }
0x6c: {  	_ =	shalt  }
0x6d: {  	_ =	shalt  }
0x6e: {  	_ =	shalt  }
0x6f: {  	_ =	shalt  }
0x70: {  	_ =	shalt  }
0x71: {  	_ =	shalt  }
0x72: {  	_ =	shalt  }
0x73: {  	_ =	shalt  }
0x74: {  	_ =	shalt  }
0x75: {  	_ =	shalt  }
0x76: {  	_ =	shalt  }
0x77: {  	_ =	shalt  }
0x78: {  	_ =	shalt  }
0x79: {  	_ =	shalt  }
0x7a: {  	_ =	shalt  }
0x7b: {  	_ =	shalt  }
0x7c: {  	_ =	shalt  }
0x7d: {  	_ =	shalt  }
0x7e: {  	_ =	shalt  }
0x7f: {  	_ =	shalt  }
0x80: {  	_ =	shalt  }
0x81: {  	_ =	shalt  }
0x82: {  	_ =	shalt  }
0x83: {  	_ =	shalt  }
0x84: {  	_ =	shalt  }
0x85: {  	_ =	shalt  }
0x86: {  	_ =	shalt  }
0x87: {  	_ =	shalt  }
.Lfunc_end0:
.L_simem_size_0:
called_computation_lowered:
.L_overlay_start_0:
0x88: {  	s2 =	sld [smem:$0x3FD9]  }
0x89: {  	s3 =	sld [smem:$0x3FFE];
	_ =	sdelay $0x1  }
0x8a: {  	s1 =	srdreg.scid  }
0x8b: {  	s0 =	sand.u32 $0x1, s1  }
0x8c: {  	s17 =	sshll.u32 s0, $0xA;
	s2 =	sadd.s32 s3, s2  }
0x8d: {  	s2 =	sadd.s32 s2, s17  }
0x8e: {  	[smem:$0x3FB9] =	sst s2  }
0x8f: {  	_ = 	snop  }
0x90: {  	s2 =	sld [smem:$0x3FC8]  }
0x91: {  	s18 =	sld [smem:$0x3FC7]  }
0x92: {  	s4 =	sld [smem:$0x3FC6]  }
0x93: {  	s5 =	sld [smem:$0x3FC5]  }
0x94: {  	s6 =	sld [smem:$0x3FD0];
	(tm) =	ssettm $0x1  }
0x95: {  	s7 =	sld [smem:$0x3FFB];
	_ =	sdelay $0x3  }
0x96: {  	_ =	strace s7  }
0x97: {  	s7 =	sld [smem:$0x3FFC];
	_ =	sdelay $0x3  }
0x98: {  	_ =	strace s7  }
0x99: {  	s7 =	sld [smem:$0x3FFD];
	_ =	sdelay $0x3  }
0x9a: {  	_ =	strace s7  }
0x9b: {  	_ =	strace $0x8FFFFFFF  }
0x9c: {  	s19 =	sld [smem:$0x3FDB];
	_ =	sdelay $0x1  }
0x9d: {  	s8 =	simm.s32 $_scs_section_size  }
0x9e: {  	s9 =	simm.s32 $_size__tile_overlayer_lowered;
	s10 =	simm.s32 $_tile_overlayer_lowered  }
0x9f: {  	s22 =	simm.s32 $0x1BFF;
	s21 =	sshll.u32 s10, $0x1;
	s7 =	sadd.s32 s8, s19  }
0xa0: {  	s11 =	simm.s32 $0x0;
	s20 =	sshll.u32 s9, $0x1;
	s9 =	sadd.s32 s21, s7  }
0xa1: {  	[timem:s11], [sflag:s22] =	dma.local [hbm:s9], s20  }
0xa2: {  	_ =	swait.ge [sflag:s22], s20  }
0xa3: {  	s8 =	ssub.s32 $0x0, s20;
	[sflag:s22] =	ssyncset.done $0x0  }
0xa4: {  	[sflag:s22] =	ssyncadd.s32 s8;
	_ =	sdelay $0x1  }
0xa5: {  	s23 =	simm.s32 $0x1B8B  }
0xa6: {  	_ =	swait.ge [sflag:s23], $0x1  }
0xa7: {  	[sflag:s23] =	ssyncset.done $0x0  }
0xa8: {  	s25 =	simm.s32 $0x1B8E;
	s24 =	sld [smem:$0x3FFE];
	[sflag:s23] =	ssyncadd.s32 $0xFFFFFFFF  }
0xa9: {  	s26 =	simm.s32 $execute0_lowered;
	[smem:$0x3FD2] =	sst s25  }
0xaa: {  	s9 =	sshll.u32 s26, $0x1;
	_ =	strace $0x80000046;
	[dreg:$0x1] =	wrdreg $0xFFFFFFFF  }
0xab: {  	s28 =	simm.s32 $_size_execute0_lowered;
	s7 =	sadd.s32 s7, s9;
	[dreg:$0x0] =	wrdreg $0x0  }
0xac: {  	s9 =	sshll.u32 s28, $0x1;
	[dreg:$0x2] =	wrdreg s7  }
0xad: {  	[dreg:$0x3] =	wrdreg s9  }
0xae: {  	[dreg:$0x4] =	wrdreg $0xC0  }
0xaf: {  	_ =	task [dreg:s11], $0x5FFFF  }
0xb0: {  	[dreg:$0x1] =	wrdreg $0xFFFFFFFF  }
0xb1: {  	[dreg:$0x0] =	wrdreg $0x60  }
0xb2: {  	[dreg:$0x2] =	wrdreg s2  }
0xb3: {  	[dreg:$0x3] =	wrdreg s18  }
0xb4: {  	[dreg:$0x4] =	wrdreg s4  }
0xb5: {  	[dreg:$0x5] =	wrdreg s5  }
0xb6: {  	[dreg:$0x6] =	wrdreg s6  }
0xb7: {  	[dreg:$0x7] =	wrdreg s24  }
0xb8: {  	[dreg:$0x8] =	wrdreg $0x9  }
0xb9: {  	_ =	task.clear_ibuf [dreg:s11], $0x9FFFF;
	_ =	strace $0x90000046  }
0xba: {  	s29 =	simm.s32 $0x9;
	_ =	strace $0x80000048  }
0xbb: {  	_ =	swait.ge [sflag:s29], $0x1  }
0xbc: {  	[sflag:s29] =	ssyncadd.s32 $0xFFFFFFFF  }
0xbd: {  	_ =	strace $0x90000048  }
0xbe: {  	_ =	sfence  }
0xbf: {  	s30 =	sld [smem:$0x0];
	_ =	sdelay $0x2  }
0xc0: {  	s31 =	sshll.u32 s1, $0xD;
	s1 =	sshrl.u32 s1, $0x2  }
0xc1: {  	s3 =	sand.u32 $0x4000, s31;
	s1 =	sadd.s32 s1, s30  }
0xc2: {  	s0 =	sor.u32 s3, s0;
	s1 =	sshll.u32 s1, $0x11  }
0xc3: {  	s0 =	sor.u32 s1, s0  }
0xc4: {  	s0 =	sadd.s32 $0x8F2B, s0  }
0xc5: {  	[sflag:s0] =	ssyncadd.remote.s32 $0x1  }
0xc6: {  	_ =	sfence.sel $0xFFFF  }
0xc7: {  	[dreg:$0x0] =	wrdreg $0xFFFFFFFF;
	(pc) =	sbr.abs _section_cstart, $3  }
0xc8: {  	[dreg:$0x1] =	wrdreg $0xFFFFFFFF  }
0xc9: {  	_ =	task.clear_ibuf [dreg:s11], $0x2FFFF;
	_ =	strace $0x9FFFFFFF  }
0xca: {  	(tm) =	ssettm $0x7FFFFFFF  }
0xcb: {  	_ =	shalt  }
tec
execute0_lowered:
.L_overlay_start_1:
0x0: {  	(tag) =	ssettag $0x1  }
0x1: {  	s4 =	rddreg [dreg:$0x0]  }
0x2: {  	s15 =	rddreg [dreg:$0x1]  }
0x3: {  	s18 =	rddreg [dreg:$0x2]  }
0x4: {  	s21 =	rddreg [dreg:$0x3]  }
0x5: {  	s2 =	rddreg [dreg:$0x4]  }
0x6: {  	s22 =	rddreg [dreg:$0x5];
	s3 =	srdreg.scid  }
0x7: {  	s0 =	rddreg [dreg:$0x6];
	s1 =	stileid.u32;
	s23 =	sand.u32 $0x1, s3  }
0x8: {  	s3 =	simm.s32 $0x0;
	s5 =	sshll.u32 s1, $0x7;
	s6 =	sshll.u32 s23, $0x6  }
0x9: {  	[smem:$0x7FF] =	sst s3;
	s24 =	sor.u32 s6, s5  }
0xa: {  	_ =	strace $0x80000047;
	s5 =	sadd.s32 s4, s24;
	s4 =	simm.s32 $0x2  }
0xb: {  	[tilespmem:s3], [sflag:$0x2] =	stream.linear.gather [hbm4b:s5+s3], $0x200, $0x38;
	[tilespmem:$0x10200] =	vst v63  }
0xc: {  	_ =	swait.ge [sflag:s4], $0x200  }
0xd: {  	s7 =	simm.s32 $0x200;
	[sflag:s4] =	ssyncset.done $0x0  }
0xe: {  	s8 =	simm.s32 $0x1;
	s6 =	simm.s32 $0x80;
	[sflag:s4] =	ssyncadd.s32 $0xFFFFFE00  }
0xf: {  	[tilespmem:s7], [sflag:$0x1] =	stream.indirect.gather [hbm4b:s2+s6], $0x80, s3, s6, $0xb8;
	[tilespmem:$0x10200] =	vst v63  }
0x10: {  	_ =	swait.ge [sflag:s8], $0x4000  }
0x11: {  	[sflag:s8] =	ssyncset.done $0x0  }
0x12: {  	s9 =	simm.s32 $0x4200;
	[sflag:s8] =	ssyncadd.s32 $0xFFFFC000  }
0x13: {  	[tilespmem:s9], [sflag:$0x1] =	stream.indirect.gather [hbm4b:s2+s6], $0x80, s6, s6, $0xb8;
	[tilespmem:$0x10200] =	vst v63  }
0x14: {  	_ =	swait.ge [sflag:s8], $0x4000  }
0x15: {  	[sflag:s8] =	ssyncset.done $0x0  }
0x16: {  	s10 =	simm.s32 $0x100;
	s11 =	simm.s32 $0x8200;
	[sflag:s8] =	ssyncadd.s32 $0xFFFFC000  }
0x17: {  	[tilespmem:s11], [sflag:$0x1] =	stream.indirect.gather [hbm4b:s2+s6], $0x80, s10, s6, $0xb8;
	[tilespmem:$0x10200] =	vst v63  }
0x18: {  	_ =	swait.ge [sflag:s8], $0x4000  }
0x19: {  	s12 =	simm.s32 $0x180;
	s13 =	simm.s32 $0xC200;
	[sflag:s8] =	ssyncset.done $0x0  }
0x1a: {  	s14 =	sshll.u32 s1, $0xE;
	s16 =	sshll.u32 s23, $0xD;
	[sflag:s8] =	ssyncadd.s32 $0xFFFFC000  }
0x1b: {  	[tilespmem:s13], [sflag:$0x1] =	stream.indirect.gather [hbm4b:s2+s6], $0x80, s12, s6, $0xb8;
	[tilespmem:$0x10200] =	vst v63  }
0x1c: {  	s14 =	sor.u32 s16, s14;
	_ =	swait.ge [sflag:s8], $0x4000  }
0x1d: {  	s25 =	sadd.s32 s14, s22;
	[sflag:s8] =	ssyncset.done $0x0  }
0x1e: {  	s14 =	sadd.s32 $0x1400, s25;
	[sflag:s8] =	ssyncadd.s32 $0xFFFFC000  }
0x1f: {  	[hbm4b:s14+s3] =	stream.linear.scatter [tilespmem:s7], [sflag:$0x2], $0x10000, $0x38;
	[tilespmem:$0x10200] =	vst v63  }
0x20: {  	_ =	swait.ge [sflag:s4], $0x10000  }
0x21: {  	[sflag:s4] =	ssyncset.done $0x0  }
0x22: {  	s15 =	sadd.s32 s15, s24;
	[sflag:s4] =	ssyncadd.s32 $0xFFFF0000  }
0x23: {  	[tilespmem:s3], [sflag:$0x2] =	stream.linear.gather [hbm4b:s15+s3], $0x200, $0x38;
	[tilespmem:$0x10200] =	vst v63  }
0x24: {  	_ =	swait.ge [sflag:s4], $0x200  }
0x25: {  	[sflag:s4] =	ssyncset.done $0x0  }
0x26: {  	s16 =	sadd.s32 $0x1000, s22;
	[sflag:s4] =	ssyncadd.s32 $0xFFFFFE00  }
0x27: {  	[tilespmem:s7], [sflag:$0x1] =	stream.indirect.gather [hbm4b:s16+s6], $0x80, s3, s6, $0xb8;
	[tilespmem:$0x10200] =	vst v63  }
0x28: {  	_ =	swait.ge [sflag:s8], $0x4000  }
0x29: {  	[sflag:s8] =	ssyncset.done $0x0  }
0x2a: {  	[sflag:s8] =	ssyncadd.s32 $0xFFFFC000  }
0x2b: {  	[tilespmem:s9], [sflag:$0x1] =	stream.indirect.gather [hbm4b:s16+s6], $0x80, s6, s6, $0xb8;
	[tilespmem:$0x10200] =	vst v63  }
0x2c: {  	_ =	swait.ge [sflag:s8], $0x4000  }
0x2d: {  	[sflag:s8] =	ssyncset.done $0x0  }
0x2e: {  	[sflag:s8] =	ssyncadd.s32 $0xFFFFC000  }
0x2f: {  	[tilespmem:s11], [sflag:$0x1] =	stream.indirect.gather [hbm4b:s16+s6], $0x80, s10, s6, $0xb8;
	[tilespmem:$0x10200] =	vst v63  }
0x30: {  	_ =	swait.ge [sflag:s8], $0x4000  }
0x31: {  	[sflag:s8] =	ssyncset.done $0x0  }
0x32: {  	[sflag:s8] =	ssyncadd.s32 $0xFFFFC000  }
0x33: {  	[tilespmem:s13], [sflag:$0x1] =	stream.indirect.gather [hbm4b:s16+s6], $0x80, s12, s6, $0xb8;
	[tilespmem:$0x10200] =	vst v63  }
0x34: {  	_ =	swait.ge [sflag:s8], $0x4000  }
0x35: {  	[sflag:s8] =	ssyncset.done $0x0  }
0x36: {  	s17 =	sadd.s32 $0x41400, s25;
	[sflag:s8] =	ssyncadd.s32 $0xFFFFC000  }
0x37: {  	[hbm4b:s17+s3] =	stream.linear.scatter [tilespmem:s7], [sflag:$0x2], $0x10000, $0x38;
	[tilespmem:$0x10200] =	vst v63  }
0x38: {  	_ =	swait.ge [sflag:s4], $0x10000  }
0x39: {  	[sflag:s4] =	ssyncset.done $0x0  }
0x3a: {  	s18 =	sadd.s32 s18, s24;
	[sflag:s4] =	ssyncadd.s32 $0xFFFF0000  }
0x3b: {  	[tilespmem:s3], [sflag:$0x2] =	stream.linear.gather [hbm4b:s18+s3], $0x200, $0x38;
	[tilespmem:$0x10200] =	vst v63  }
0x3c: {  	_ =	swait.ge [sflag:s4], $0x200  }
0x3d: {  	[sflag:s4] =	ssyncset.done $0x0  }
0x3e: {  	s19 =	sadd.s32 $0xE00, s22;
	[sflag:s4] =	ssyncadd.s32 $0xFFFFFE00  }
0x3f: {  	[tilespmem:s7], [sflag:$0x1] =	stream.indirect.gather [hbm4b:s19+s6], $0x80, s3, s6, $0xb8;
	[tilespmem:$0x10200] =	vst v63  }
0x40: {  	_ =	swait.ge [sflag:s8], $0x4000  }
0x41: {  	[sflag:s8] =	ssyncset.done $0x0  }
0x42: {  	[sflag:s8] =	ssyncadd.s32 $0xFFFFC000  }
0x43: {  	[tilespmem:s9], [sflag:$0x1] =	stream.indirect.gather [hbm4b:s19+s6], $0x80, s6, s6, $0xb8;
	[tilespmem:$0x10200] =	vst v63  }
0x44: {  	_ =	swait.ge [sflag:s8], $0x4000  }
0x45: {  	[sflag:s8] =	ssyncset.done $0x0  }
0x46: {  	[sflag:s8] =	ssyncadd.s32 $0xFFFFC000  }
0x47: {  	[tilespmem:s11], [sflag:$0x1] =	stream.indirect.gather [hbm4b:s19+s6], $0x80, s10, s6, $0xb8;
	[tilespmem:$0x10200] =	vst v63  }
0x48: {  	_ =	swait.ge [sflag:s8], $0x4000  }
0x49: {  	[sflag:s8] =	ssyncset.done $0x0  }
0x4a: {  	[sflag:s8] =	ssyncadd.s32 $0xFFFFC000  }
0x4b: {  	[tilespmem:s13], [sflag:$0x1] =	stream.indirect.gather [hbm4b:s19+s6], $0x80, s12, s6, $0xb8;
	[tilespmem:$0x10200] =	vst v63  }
0x4c: {  	_ =	swait.ge [sflag:s8], $0x4000  }
0x4d: {  	[sflag:s8] =	ssyncset.done $0x0  }
0x4e: {  	s20 =	sadd.s32 $0x81400, s25;
	[sflag:s8] =	ssyncadd.s32 $0xFFFFC000  }
0x4f: {  	[hbm4b:s20+s3] =	stream.linear.scatter [tilespmem:s7], [sflag:$0x2], $0x10000, $0x38;
	[tilespmem:$0x10200] =	vst v63  }
0x50: {  	_ =	swait.ge [sflag:s4], $0x10000  }
0x51: {  	[sflag:s4] =	ssyncset.done $0x0  }
0x52: {  	s21 =	sadd.s32 s21, s24;
	[sflag:s4] =	ssyncadd.s32 $0xFFFF0000  }
0x53: {  	[tilespmem:s3], [sflag:$0x2] =	stream.linear.gather [hbm4b:s21+s3], $0x200, $0x38;
	[tilespmem:$0x10200] =	vst v63  }
0x54: {  	_ =	swait.ge [sflag:s4], $0x200  }
0x55: {  	[sflag:s4] =	ssyncset.done $0x0  }
0x56: {  	s22 =	sadd.s32 $0x1200, s22;
	[sflag:s4] =	ssyncadd.s32 $0xFFFFFE00  }
0x57: {  	[tilespmem:s7], [sflag:$0x1] =	stream.indirect.gather [hbm4b:s22+s6], $0x80, s3, s6, $0xb8;
	[tilespmem:$0x10200] =	vst v63  }
0x58: {  	_ =	swait.ge [sflag:s8], $0x4000  }
0x59: {  	[sflag:s8] =	ssyncset.done $0x0  }
0x5a: {  	[sflag:s8] =	ssyncadd.s32 $0xFFFFC000  }
0x5b: {  	[tilespmem:s9], [sflag:$0x1] =	stream.indirect.gather [hbm4b:s22+s6], $0x80, s6, s6, $0xb8;
	[tilespmem:$0x10200] =	vst v63  }
0x5c: {  	_ =	swait.ge [sflag:s8], $0x4000  }
0x5d: {  	[sflag:s8] =	ssyncset.done $0x0  }
0x5e: {  	s23 =	ssub.s32 $0x2, s23;
	[sflag:s8] =	ssyncadd.s32 $0xFFFFC000  }
0x5f: {  	[tilespmem:s11], [sflag:$0x1] =	stream.indirect.gather [hbm4b:s22+s6], $0x80, s10, s6, $0xb8;
	[tilespmem:$0x10200] =	vst v63  }
0x60: {  	s31 =	sshrl.u32 s23, $0x1;
	_ =	swait.ge [sflag:s8], $0x4000  }
0x61: {  	s24 =	ssub.s32 s23, s31;
	[sflag:s8] =	ssyncset.done $0x0  }
0x62: {  	s24 =	smax.u32 s24, $0x1;
	[sflag:s8] =	ssyncadd.s32 $0xFFFFC000  }
0x63: {  	[tilespmem:s13], [sflag:$0x1] =	stream.indirect.gather [hbm4b:s22+s6], $0x80, s12, s6, $0xb8;
	[tilespmem:$0x10200] =	vst v63  }
0x64: {  	p0 =	sne.s32 s24, $0x1;
	_ =	swait.ge [sflag:s8], $0x4000  }
.Ltmp0:
0x65: {  	[sflag:s8] =	ssyncset.done $0x0;
	(pc) =	sbr.rel @!p0 .LBB2_2-.Ltmp0, $4  }
0x66: {  	s23 =	sadd.s32 $0xC1400, s25;
	[sflag:s8] =	ssyncadd.s32 $0xFFFFC000  }
0x67: {  	[hbm4b:s23+s3] =	stream.linear.scatter [tilespmem:s7], [sflag:$0x2], $0x10000, $0x38;
	[tilespmem:$0x10200] =	vst v63  }
0x68: {  	_ =	swait.ge [sflag:s4], $0x10000  }
0x69: {  	s24 =	sadd.s32 $0xFFFFFFFF, s24;
	[sflag:s4] =	ssyncset.done $0x0  }
.LBB2_1:
0x6a: {  	p0 =	sne.s32 s24, $0x1;
	s24 =	sadd.s32 $0xFFFFFFFF, s24;
	[sflag:s4] =	ssyncadd.s32 $0xFFFF0000  }
0x6b: {  	[tilespmem:s3], [sflag:$0x2] =	stream.linear.gather [hbm4b:s5+s3], $0x200, $0x38;
	[tilespmem:$0x10200] =	vst v63  }
0x6c: {  	_ =	swait.ge [sflag:s4], $0x200  }
0x6d: {  	[sflag:s4] =	ssyncset.done $0x0  }
0x6e: {  	[sflag:s4] =	ssyncadd.s32 $0xFFFFFE00  }
0x6f: {  	[tilespmem:s7], [sflag:$0x1] =	stream.indirect.gather [hbm4b:s2+s6], $0x80, s3, s6, $0xb8;
	[tilespmem:$0x10200] =	vst v63  }
0x70: {  	_ =	swait.ge [sflag:s8], $0x4000  }
0x71: {  	[sflag:s8] =	ssyncset.done $0x0  }
0x72: {  	[sflag:s8] =	ssyncadd.s32 $0xFFFFC000  }
0x73: {  	[tilespmem:s9], [sflag:$0x1] =	stream.indirect.gather [hbm4b:s2+s6], $0x80, s6, s6, $0xb8;
	[tilespmem:$0x10200] =	vst v63  }
0x74: {  	_ =	swait.ge [sflag:s8], $0x4000  }
0x75: {  	[sflag:s8] =	ssyncset.done $0x0  }
0x76: {  	[sflag:s8] =	ssyncadd.s32 $0xFFFFC000  }
0x77: {  	[tilespmem:s11], [sflag:$0x1] =	stream.indirect.gather [hbm4b:s2+s6], $0x80, s10, s6, $0xb8;
	[tilespmem:$0x10200] =	vst v63  }
0x78: {  	_ =	swait.ge [sflag:s8], $0x4000  }
0x79: {  	[sflag:s8] =	ssyncset.done $0x0  }
0x7a: {  	[sflag:s8] =	ssyncadd.s32 $0xFFFFC000  }
0x7b: {  	[tilespmem:s13], [sflag:$0x1] =	stream.indirect.gather [hbm4b:s2+s6], $0x80, s12, s6, $0xb8;
	[tilespmem:$0x10200] =	vst v63  }
0x7c: {  	_ =	swait.ge [sflag:s8], $0x4000  }
0x7d: {  	[sflag:s8] =	ssyncset.done $0x0  }
0x7e: {  	[sflag:s8] =	ssyncadd.s32 $0xFFFFC000  }
0x7f: {  	[hbm4b:s14+s3] =	stream.linear.scatter [tilespmem:s7], [sflag:$0x2], $0x10000, $0x38;
	[tilespmem:$0x10200] =	vst v63  }
0x80: {  	_ =	swait.ge [sflag:s4], $0x10000  }
0x81: {  	[sflag:s4] =	ssyncset.done $0x0  }
0x82: {  	[sflag:s4] =	ssyncadd.s32 $0xFFFF0000  }
0x83: {  	[tilespmem:s3], [sflag:$0x2] =	stream.linear.gather [hbm4b:s15+s3], $0x200, $0x38;
	[tilespmem:$0x10200] =	vst v63  }
0x84: {  	_ =	swait.ge [sflag:s4], $0x200  }
0x85: {  	[sflag:s4] =	ssyncset.done $0x0  }
0x86: {  	[sflag:s4] =	ssyncadd.s32 $0xFFFFFE00  }
0x87: {  	[tilespmem:s7], [sflag:$0x1] =	stream.indirect.gather [hbm4b:s16+s6], $0x80, s3, s6, $0xb8;
	[tilespmem:$0x10200] =	vst v63  }
0x88: {  	_ =	swait.ge [sflag:s8], $0x4000  }
0x89: {  	[sflag:s8] =	ssyncset.done $0x0  }
0x8a: {  	[sflag:s8] =	ssyncadd.s32 $0xFFFFC000  }
0x8b: {  	[tilespmem:s9], [sflag:$0x1] =	stream.indirect.gather [hbm4b:s16+s6], $0x80, s6, s6, $0xb8;
	[tilespmem:$0x10200] =	vst v63  }
0x8c: {  	_ =	swait.ge [sflag:s8], $0x4000  }
0x8d: {  	[sflag:s8] =	ssyncset.done $0x0  }
0x8e: {  	[sflag:s8] =	ssyncadd.s32 $0xFFFFC000  }
0x8f: {  	[tilespmem:s11], [sflag:$0x1] =	stream.indirect.gather [hbm4b:s16+s6], $0x80, s10, s6, $0xb8;
	[tilespmem:$0x10200] =	vst v63  }
0x90: {  	_ =	swait.ge [sflag:s8], $0x4000  }
0x91: {  	[sflag:s8] =	ssyncset.done $0x0  }
0x92: {  	[sflag:s8] =	ssyncadd.s32 $0xFFFFC000  }
0x93: {  	[tilespmem:s13], [sflag:$0x1] =	stream.indirect.gather [hbm4b:s16+s6], $0x80, s12, s6, $0xb8;
	[tilespmem:$0x10200] =	vst v63  }
0x94: {  	_ =	swait.ge [sflag:s8], $0x4000  }
0x95: {  	[sflag:s8] =	ssyncset.done $0x0  }
0x96: {  	[sflag:s8] =	ssyncadd.s32 $0xFFFFC000  }
0x97: {  	[hbm4b:s17+s3] =	stream.linear.scatter [tilespmem:s7], [sflag:$0x2], $0x10000, $0x38;
	[tilespmem:$0x10200] =	vst v63  }
0x98: {  	_ =	swait.ge [sflag:s4], $0x10000  }
0x99: {  	[sflag:s4] =	ssyncset.done $0x0  }
0x9a: {  	[sflag:s4] =	ssyncadd.s32 $0xFFFF0000  }
0x9b: {  	[tilespmem:s3], [sflag:$0x2] =	stream.linear.gather [hbm4b:s18+s3], $0x200, $0x38;
	[tilespmem:$0x10200] =	vst v63  }
0x9c: {  	_ =	swait.ge [sflag:s4], $0x200  }
0x9d: {  	[sflag:s4] =	ssyncset.done $0x0  }
0x9e: {  	[sflag:s4] =	ssyncadd.s32 $0xFFFFFE00  }
0x9f: {  	[tilespmem:s7], [sflag:$0x1] =	stream.indirect.gather [hbm4b:s19+s6], $0x80, s3, s6, $0xb8;
	[tilespmem:$0x10200] =	vst v63  }
0xa0: {  	_ =	swait.ge [sflag:s8], $0x4000  }
0xa1: {  	[sflag:s8] =	ssyncset.done $0x0  }
0xa2: {  	[sflag:s8] =	ssyncadd.s32 $0xFFFFC000  }
0xa3: {  	[tilespmem:s9], [sflag:$0x1] =	stream.indirect.gather [hbm4b:s19+s6], $0x80, s6, s6, $0xb8;
	[tilespmem:$0x10200] =	vst v63  }
0xa4: {  	_ =	swait.ge [sflag:s8], $0x4000  }
0xa5: {  	[sflag:s8] =	ssyncset.done $0x0  }
0xa6: {  	[sflag:s8] =	ssyncadd.s32 $0xFFFFC000  }
0xa7: {  	[tilespmem:s11], [sflag:$0x1] =	stream.indirect.gather [hbm4b:s19+s6], $0x80, s10, s6, $0xb8;
	[tilespmem:$0x10200] =	vst v63  }
0xa8: {  	_ =	swait.ge [sflag:s8], $0x4000  }
0xa9: {  	[sflag:s8] =	ssyncset.done $0x0  }
0xaa: {  	[sflag:s8] =	ssyncadd.s32 $0xFFFFC000  }
0xab: {  	[tilespmem:s13], [sflag:$0x1] =	stream.indirect.gather [hbm4b:s19+s6], $0x80, s12, s6, $0xb8;
	[tilespmem:$0x10200] =	vst v63  }
0xac: {  	_ =	swait.ge [sflag:s8], $0x4000  }
0xad: {  	[sflag:s8] =	ssyncset.done $0x0  }
0xae: {  	[sflag:s8] =	ssyncadd.s32 $0xFFFFC000  }
0xaf: {  	[hbm4b:s20+s3] =	stream.linear.scatter [tilespmem:s7], [sflag:$0x2], $0x10000, $0x38;
	[tilespmem:$0x10200] =	vst v63  }
0xb0: {  	_ =	swait.ge [sflag:s4], $0x10000  }
0xb1: {  	[sflag:s4] =	ssyncset.done $0x0  }
0xb2: {  	[sflag:s4] =	ssyncadd.s32 $0xFFFF0000  }
0xb3: {  	[tilespmem:s3], [sflag:$0x2] =	stream.linear.gather [hbm4b:s21+s3], $0x200, $0x38;
	[tilespmem:$0x10200] =	vst v63  }
0xb4: {  	_ =	swait.ge [sflag:s4], $0x200  }
0xb5: {  	[sflag:s4] =	ssyncset.done $0x0  }
0xb6: {  	[sflag:s4] =	ssyncadd.s32 $0xFFFFFE00  }
0xb7: {  	[tilespmem:s7], [sflag:$0x1] =	stream.indirect.gather [hbm4b:s22+s6], $0x80, s3, s6, $0xb8;
	[tilespmem:$0x10200] =	vst v63  }
0xb8: {  	_ =	swait.ge [sflag:s8], $0x4000  }
0xb9: {  	[sflag:s8] =	ssyncset.done $0x0  }
0xba: {  	[sflag:s8] =	ssyncadd.s32 $0xFFFFC000  }
0xbb: {  	[tilespmem:s9], [sflag:$0x1] =	stream.indirect.gather [hbm4b:s22+s6], $0x80, s6, s6, $0xb8;
	[tilespmem:$0x10200] =	vst v63  }
0xbc: {  	_ =	swait.ge [sflag:s8], $0x4000  }
0xbd: {  	[sflag:s8] =	ssyncset.done $0x0  }
0xbe: {  	[sflag:s8] =	ssyncadd.s32 $0xFFFFC000  }
0xbf: {  	[tilespmem:s11], [sflag:$0x1] =	stream.indirect.gather [hbm4b:s22+s6], $0x80, s10, s6, $0xb8;
	[tilespmem:$0x10200] =	vst v63  }
0xc0: {  	_ =	swait.ge [sflag:s8], $0x4000  }
0xc1: {  	[sflag:s8] =	ssyncset.done $0x0  }
0xc2: {  	[sflag:s8] =	ssyncadd.s32 $0xFFFFC000  }
0xc3: {  	[tilespmem:s13], [sflag:$0x1] =	stream.indirect.gather [hbm4b:s22+s6], $0x80, s12, s6, $0xb8;
	[tilespmem:$0x10200] =	vst v63  }
0xc4: {  	_ =	swait.ge [sflag:s8], $0x4000  }
.Ltmp1:
0xc5: {  	[sflag:s8] =	ssyncset.done $0x0;
	(pc) =	sbr.rel @p0 .LBB2_1-.Ltmp1, $4  }
0xc6: {  	[sflag:s8] =	ssyncadd.s32 $0xFFFFC000  }
0xc7: {  	[hbm4b:s23+s3] =	stream.linear.scatter [tilespmem:s7], [sflag:$0x2], $0x10000, $0x38;
	[tilespmem:$0x10200] =	vst v63  }
0xc8: {  	_ =	swait.ge [sflag:s4], $0x10000  }
0xc9: {  	[sflag:s4] =	ssyncset.done $0x0  }
.LBB2_2:
0xca: {  	[sflag:s4] =	ssyncadd.s32 $0xFFFF0000  }
0xcb: {  	_ =	sfence.sel $0x180000  }
0xcc: {  	[bflag:$0x0] =	sbarrier.arrive $0xFFFF  }
0xcd: {  	p0 =	sne.s32 s1, $0x0;
	_ =	strace $0x90000047  }
0xce: {  	s0 =	sadd.s32 @!p0 $0x100000, s0;
	[bflag:$0x2] =	sbarrier.arrive $0xFFFF  }
0xcf: {  	[sflag:s0] =	ssyncadd.tile.s32 @!p0 $0x1;
	_ =	shalt  }
.Lfunc_end2:
_tile_overlayer_lowered:
.L_overlay_start_2:
0xd0: {  	(tag) =	ssettag $0x2  }
0xd1: {  	s0 =	rddreg [dreg:$0x0];
	s2 =	stileid.u32  }
0xd2: {  	s1 =	rddreg [dreg:$0x1];
	p0 =	sne.s32 s2, $0x0  }
0xd3: {  	s3 =	rddreg [dreg:$0x2];
	[bflag:$0x3] =	sbarrier.arrive $0xFFFF;
	s2 =	simm.s32 @!p0 $0x1C02  }
0xd4: {  	[timem:s3], [sflag:s2] =	dma.local @!p0 [hbm:s0], s1  }
0xd5: {  	s0 =	simm.s32 @!p0 $0x2  }
0xd6: {  	_ =	swait.ge @!p0 [sflag:s0], s1  }
0xd7: {  	s1 =	ssub.s32 @!p0 $0x0, s1;
	[sflag:s0] =	ssyncset.done @!p0 $0x0  }
0xd8: {  	[sflag:s0] =	ssyncadd.s32 @!p0 s1  }
0xd9: {  	[bflag:$0x3] =	sbarrier.arrive $0xFFFF  }
0xda: {  	_ =	shalt  }

</sc_bundles>
